<compile_context>
chip_gen: v7x
topology: tpu7x:2x2x1
jax: 0.10.2.dev20260603
libtpu: 0.0.44.dev20260713+nightly
codegen_flags: <defaults>
</compile_context>

<pallas_src>
import functools

import jax
import jax.numpy as jnp
from jax import lax
from jax.experimental import pallas as pl
from jax.experimental.pallas import tpu as pltpu
from jax.experimental.pallas import tpu_sc as plsc

N_NODES = 10000
N_EDGES = 320000
N_LABEL = 200000
IN_CH = 128
HID_CH = 128
OUT_CH = 64

NC = 2
NS = 16
NW = NC * NS
LANES = 16

NP = 10240
ROWS_PER_SC_SUB = NP // NS

E_RPW = 80
E_PAD = NW * E_RPW * 128
L_RPW = 56
L_PAD = NW * L_RPW * 128

_MESH = plsc.VectorSubcoreMesh(core_axis_name="c", subcore_axis_name="s")


def _zero16():
    return jnp.zeros((LANES,), jnp.float32)


def _sc_degree(dst2d):
    @functools.partial(
        pl.kernel,
        mesh=_MESH,
        out_type=jax.ShapeDtypeStruct((NC, NP, LANES), jnp.float32),
        scratch_types=[
            pltpu.VMEM((E_RPW, 128), jnp.int32),
            pltpu.VMEM((128, LANES), jnp.float32),
            pltpu.VMEM((128, LANES), jnp.float32),
            pltpu.VMEM_SHARED((NP, LANES), jnp.float32),
        ],
    )
    def k(dst_hbm, hist_hbm, idx_v, ones_v, zbuf_v, hist_sh):
        cid = lax.axis_index("c")
        sid = lax.axis_index("s")
        wid = sid * NC + cid
        one = jnp.full((LANES,), 1.0, jnp.float32)
        zero = _zero16()

        @pl.loop(0, 128)
        def _(i):
            ones_v[i, :] = one
            zbuf_v[i, :] = zero

        @pl.loop(0, ROWS_PER_SC_SUB // 128)
        def _(j):
            pltpu.sync_copy(zbuf_v,
                            hist_sh.at[pl.ds(sid * ROWS_PER_SC_SUB + j * 128, 128)])
        plsc.subcore_barrier()

        pltpu.sync_copy(dst_hbm.at[wid], idx_v)

        @pl.loop(0, E_RPW)
        def _(j):
            pltpu.sync_copy(ones_v, hist_sh.at[idx_v.at[j]], add=True)
        plsc.subcore_barrier()

        pltpu.sync_copy(hist_sh.at[pl.ds(sid * ROWS_PER_SC_SUB, ROWS_PER_SC_SUB)],
                        hist_hbm.at[cid, pl.ds(sid * ROWS_PER_SC_SUB, ROWS_PER_SC_SUB)])

    return k(dst2d)


def _sc_aggregate(table, src1d, dst2d, D):
    @functools.partial(
        pl.kernel,
        mesh=_MESH,
        out_type=jax.ShapeDtypeStruct((NC, NP, D), jnp.float32),
        scratch_types=[
            pltpu.VMEM((256,), jnp.int32),
            pltpu.VMEM((256,), jnp.int32),
            pltpu.VMEM((256, D), jnp.float32),
            pltpu.VMEM_SHARED((NP, D), jnp.float32),
            pltpu.SemaphoreType.DMA,
        ],
    )
    def k(tab_hbm, src_hbm, dst_hbm, out_hbm, si_a, di_a, rows_a, acc_sh, sem_a):
        cid = lax.axis_index("c")
        sid = lax.axis_index("s")
        wid = sid * NC + cid
        zero = _zero16()

        @pl.loop(0, 256)
        def _(i):
            for c in range(D // LANES):
                rows_a[i, pl.ds(c * LANES, LANES)] = zero

        @pl.loop(0, ROWS_PER_SC_SUB // 256)
        def _(j):
            pltpu.sync_copy(rows_a.at[pl.ds(0, 128)],
                            acc_sh.at[pl.ds(sid * ROWS_PER_SC_SUB + j * 256, 128)])
            pltpu.sync_copy(rows_a.at[pl.ds(128, 128)],
                            acc_sh.at[pl.ds(sid * ROWS_PER_SC_SUB + j * 256 + 128, 128)])
        plsc.subcore_barrier()

        base = wid * (E_RPW * 128)

        @pl.loop(0, E_RPW // 2)
        def _(j):
            pltpu.sync_copy(src_hbm.at[pl.ds(base + j * 256, 256)], si_a)
            pltpu.sync_copy(dst_hbm.at[pl.ds(base + j * 256, 256)], di_a)
            pltpu.sync_copy(tab_hbm.at[si_a], rows_a)
            pltpu.sync_copy(rows_a, acc_sh.at[di_a], add=True)
        plsc.subcore_barrier()

        pltpu.sync_copy(acc_sh.at[pl.ds(sid * ROWS_PER_SC_SUB, ROWS_PER_SC_SUB)],
                        out_hbm.at[cid, pl.ds(sid * ROWS_PER_SC_SUB, ROWS_PER_SC_SUB)])

    return k(table, src1d, dst2d)


def _sc_decode(z, e0_2d, e1_2d):
    @functools.partial(
        pl.kernel,
        mesh=_MESH,
        out_type=[
            jax.ShapeDtypeStruct((NW, L_RPW * 128, HID_CH), jnp.float32),
            jax.ShapeDtypeStruct((NW, L_RPW * 128, HID_CH), jnp.float32),
        ],
        scratch_types=[
            pltpu.VMEM((L_RPW, 128), jnp.int32),
            pltpu.VMEM((L_RPW, 128), jnp.int32),
            pltpu.VMEM((128, HID_CH), jnp.float32),
            pltpu.VMEM((128, HID_CH), jnp.float32),
            pltpu.SemaphoreType.DMA,
        ],
    )
    def k(z_hbm, e0_hbm, e1_hbm, out0_hbm, out1_hbm, i0_v, i1_v, a0, a1, sem):
        cid = lax.axis_index("c")
        sid = lax.axis_index("s")
        wid = sid * NC + cid
        pltpu.sync_copy(e0_hbm.at[wid], i0_v)
        pltpu.sync_copy(e1_hbm.at[wid], i1_v)

        @pl.loop(0, L_RPW)
        def _(j):
            cp0 = pltpu.async_copy(z_hbm.at[i0_v.at[j]], a0, sem)
            cp1 = pltpu.async_copy(z_hbm.at[i1_v.at[j]], a1, sem)
            cp0.wait()
            cp1.wait()
            pltpu.sync_copy(a0, out0_hbm.at[wid, pl.ds(j * 128, 128)])
            pltpu.sync_copy(a1, out1_hbm.at[wid, pl.ds(j * 128, 128)])

    return k(z, e0_2d, e1_2d)


_BLK = 512


def _dot(a, b):
    return jnp.dot(a, b, preferred_element_type=jnp.float32,
                   precision=lax.Precision.HIGHEST)


def _tc_stage1(hist, x_pad, W1):
    def body(hist_ref, x_ref, w_ref, dis_ref, hs_ref):
        deg = hist_ref[0] + hist_ref[1] + 1.0
        dis = lax.rsqrt(deg)
        dis_ref[...] = dis
        h = _dot(x_ref[...], w_ref[...])
        hs_ref[...] = h * dis[:, 0:1]

    return pl.pallas_call(
        body,
        grid=(NP // _BLK,),
        in_specs=[
            pl.BlockSpec((NC, _BLK, LANES), lambda i: (0, i, 0)),
            pl.BlockSpec((_BLK, IN_CH), lambda i: (i, 0)),
            pl.BlockSpec((IN_CH, HID_CH), lambda i: (0, 0)),
        ],
        out_specs=[
            pl.BlockSpec((_BLK, LANES), lambda i: (i, 0)),
            pl.BlockSpec((_BLK, HID_CH), lambda i: (i, 0)),
        ],
        out_shape=[
            jax.ShapeDtypeStruct((NP, LANES), jnp.float32),
            jax.ShapeDtypeStruct((NP, HID_CH), jnp.float32),
        ],
    )(hist, x_pad, W1)


def _tc_stage2(parts1, hs1, dis, b1, W2):
    def body(p_ref, hs_ref, dis_ref, b_ref, w_ref, out_ref):
        d = dis_ref[:, 0:1]
        z1 = jnp.maximum((p_ref[0] + p_ref[1] + hs_ref[...]) * d + b_ref[...], 0.0)
        out_ref[:, :OUT_CH] = _dot(z1, w_ref[...]) * d
        out_ref[:, OUT_CH:] = jnp.zeros((_BLK, HID_CH - OUT_CH), jnp.float32)

    return pl.pallas_call(
        body,
        grid=(NP // _BLK,),
        in_specs=[
            pl.BlockSpec((NC, _BLK, HID_CH), lambda i: (0, i, 0)),
            pl.BlockSpec((_BLK, HID_CH), lambda i: (i, 0)),
            pl.BlockSpec((_BLK, LANES), lambda i: (i, 0)),
            pl.BlockSpec((1, HID_CH), lambda i: (0, 0)),
            pl.BlockSpec((HID_CH, OUT_CH), lambda i: (0, 0)),
        ],
        out_specs=pl.BlockSpec((_BLK, HID_CH), lambda i: (i, 0)),
        out_shape=jax.ShapeDtypeStruct((NP, HID_CH), jnp.float32),
    )(parts1, hs1, dis, b1, W2)


def _tc_stage3(parts2, hs2, dis, b2):
    def body(p_ref, hs_ref, dis_ref, b_ref, out_ref):
        d = dis_ref[:, 0:1]
        out_ref[...] = (p_ref[0] + p_ref[1] + hs_ref[...]) * d + b_ref[...]

    return pl.pallas_call(
        body,
        grid=(NP // _BLK,),
        in_specs=[
            pl.BlockSpec((NC, _BLK, HID_CH), lambda i: (0, i, 0)),
            pl.BlockSpec((_BLK, HID_CH), lambda i: (i, 0)),
            pl.BlockSpec((_BLK, LANES), lambda i: (i, 0)),
            pl.BlockSpec((1, HID_CH), lambda i: (0, 0)),
        ],
        out_specs=pl.BlockSpec((_BLK, HID_CH), lambda i: (i, 0)),
        out_shape=jax.ShapeDtypeStruct((NP, HID_CH), jnp.float32),
    )(parts2, hs2, dis, b2)


_DBLK = 1024


def _tc_decode_dot(a, b):
    def body(a_ref, b_ref, out_ref):
        s = jnp.sum(a_ref[...] * b_ref[...], axis=1)
        out_ref[...] = s.reshape(_DBLK // 128, 128)

    return pl.pallas_call(
        body,
        grid=(L_PAD // _DBLK,),
        in_specs=[
            pl.BlockSpec((_DBLK, HID_CH), lambda i: (i, 0)),
            pl.BlockSpec((_DBLK, HID_CH), lambda i: (i, 0)),
        ],
        out_specs=pl.BlockSpec((_DBLK // 128, 128), lambda i: (i, 0)),
        out_shape=jax.ShapeDtypeStruct((L_PAD // 128, 128), jnp.float32),
    )(a, b)


def kernel(x, edge_index, edge_label_index, W1, b1, W2, b2):
    ei = edge_index.astype(jnp.int32)
    eli = edge_label_index.astype(jnp.int32)

    epad = E_PAD - N_EDGES
    src2d = jnp.concatenate(
        [ei[0], jnp.full((epad,), N_NODES, jnp.int32)]).reshape(NW, E_RPW, 128)
    dst2d = jnp.concatenate(
        [ei[1], jnp.full((epad,), N_NODES, jnp.int32)]).reshape(NW, E_RPW, 128)

    lpad = L_PAD - N_LABEL
    e0_2d = jnp.concatenate(
        [eli[0], jnp.zeros((lpad,), jnp.int32)]).reshape(NW, L_RPW, 128)
    e1_2d = jnp.concatenate(
        [eli[1], jnp.zeros((lpad,), jnp.int32)]).reshape(NW, L_RPW, 128)

    x_pad = jnp.pad(x, ((0, NP - N_NODES), (0, 0)))

    b2p = jnp.pad(b2.reshape(1, OUT_CH), ((0, 0), (0, HID_CH - OUT_CH)))

    hist = _sc_degree(dst2d)
    dis, hs1 = _tc_stage1(hist, x_pad, W1)
    src1d = src2d.reshape(-1)
    dst1d = dst2d.reshape(-1)
    parts1 = _sc_aggregate(hs1, src1d, dst1d, HID_CH)
    hs2 = _tc_stage2(parts1, hs1, dis, b1.reshape(1, HID_CH), W2)
    parts2 = _sc_aggregate(hs2, src1d, dst1d, HID_CH)
    z = _tc_stage3(parts2, hs2, dis, b2p)
    g0, g1 = _sc_decode(z, e0_2d, e1_2d)
    out = _tc_decode_dot(g0.reshape(L_PAD, HID_CH), g1.reshape(L_PAD, HID_CH))
    return out.reshape(-1)[:N_LABEL]

# --- scband reference (transcript-rebuilt; emitter-appended) ---
"""Pipeline reference for scband-gcn-19885698580718 (READ-ONLY COPY).

The authoritative reference and input builder live on the scoring server;
editing this copy changes nothing except your own understanding.
"""

import jax, jax.numpy as jnp
import numpy as np

IN_CH = 128
HID_CH = 128
OUT_CH = 64
N_NODES = 10000
N_EDGES = 320000
N_LABEL = 200000


def setup_inputs(seed: int = 0) -> dict:
    key = jax.random.key(seed)
    k1, k2, k3, k4, k5, k6, k7 = jax.random.split(key, 7)
    x = jax.random.normal(k1, (N_NODES, IN_CH), dtype=jnp.float32)
    edge_index = jax.random.randint(k2, (2, N_EDGES), 0, N_NODES, dtype=jnp.int64)
    edge_label_index = jax.random.randint(k3, (2, N_LABEL), 0, N_NODES, dtype=jnp.int64)
    W1 = jax.random.normal(k4, (IN_CH, HID_CH), dtype=jnp.float32) * (1.0 / np.sqrt(IN_CH))
    b1 = jnp.zeros((HID_CH,), dtype=jnp.float32)
    W2 = jax.random.normal(k5, (HID_CH, OUT_CH), dtype=jnp.float32) * (1.0 / np.sqrt(HID_CH))
    b2 = jnp.zeros((OUT_CH,), dtype=jnp.float32)
    return {"x": x, "edge_index": edge_index, "edge_label_index": edge_label_index,
            "W1": W1, "b1": b1, "W2": W2, "b2": b2}


def _gcn_conv(x, edge_index, W, b):
    # Faithful PyG GCNConv: add self-loops, symmetric normalization,
    # linear transform, scatter-add aggregation, bias after aggregation.
    N = x.shape[0]
    loop = jnp.arange(N, dtype=edge_index.dtype)
    src = jnp.concatenate([edge_index[0], loop])
    dst = jnp.concatenate([edge_index[1], loop])
    deg = jnp.zeros((N,), dtype=x.dtype).at[dst].add(1.0)
    deg_inv_sqrt = jnp.where(deg > 0, jax.lax.rsqrt(jnp.where(deg > 0, deg, 1.0)), 0.0)
    norm = deg_inv_sqrt[src] * deg_inv_sqrt[dst]
    h = x @ W
    msg = h[src] * norm[:, None]
    out = jnp.zeros((N, W.shape[1]), dtype=x.dtype).at[dst].add(msg)
    return out + b


def reference(x, edge_index, edge_label_index, W1, b1, W2, b2):
    z = _gcn_conv(x, edge_index, W1, b1)
    z = jax.nn.relu(z)
    z = _gcn_conv(z, edge_index, W2, b2)
    src = z[edge_label_index[0]]
    dst = z[edge_label_index[1]]
    return (src * dst).sum(axis=-1)

if __name__ == "__main__":
    import jax
    _d = setup_inputs()
    print(jax.jit(kernel)(*tuple(_d.values())))

</pallas_src>

<mosaic_0001>
#map = affine_map<(d0, d1) -> (0, 0)>
#map1 = affine_map<(d0, d1) -> (0, 0, 0)>
module attributes {stable_mosaic.version = 14 : i64} {
  func.func @k(%arg0: i32, %arg1: i32, %arg2: memref<10240x128xf32, #tpu.memory_space<hbm>>, %arg3: memref<32x56x128xi32, #tpu.memory_space<hbm>>, %arg4: memref<32x56x128xi32, #tpu.memory_space<hbm>>, %arg5: memref<32x7168x128xf32, #tpu.memory_space<hbm>>, %arg6: memref<32x7168x128xf32, #tpu.memory_space<hbm>>, %arg7: memref<56x128xi32, #tpu.memory_space<vmem>>, %arg8: memref<56x128xi32, #tpu.memory_space<vmem>>, %arg9: memref<128x128xf32, #tpu.memory_space<vmem>>, %arg10: memref<128x128xf32, #tpu.memory_space<vmem>>, %arg11: memref<!tpu.dma_semaphore, #tpu.memory_space<semaphore_mem>>) attributes {dimension_semantics = [#tpu.dimension_semantics<core_parallel>, #tpu.dimension_semantics<subcore_parallel>], iteration_bounds = array<i64: 2, 16>, scalar_prefetch = 0 : i64, scratch_operands = 5 : i64, tpu.core_type = #tpu.core_type<sc_vector_subcore>, window_params = [{transform_indices = #map}, {transform_indices = #map1}, {transform_indices = #map1}, {transform_indices = #map1}, {transform_indices = #map1}]} {
    %mul3A = arith.constant 2 : i32
    %mul3A_0 = arith.muli %arg1, %mul3A : i32
    %add3A = arith.addi %mul3A_0, %arg0 : i32
    "tpu.region"() ({
      %run_scoped3A = tpu.sem_alloc : memref<!tpu.dma_semaphore, #tpu.memory_space<semaphore_mem>>
      %dma_start3A = arith.constant 0 : i32
      %dma_start3A_5 = arith.constant 0 : i32
      %dma_start3A_6 = tpu.memref_slice %arg3[%add3A, %dma_start3A, %dma_start3A_5] : memref<32x56x128xi32, #tpu.memory_space<hbm>> -> memref<1x56x128xi32, #tpu.memory_space<hbm>>
      %dma_start3A_7 = tpu.memref_squeeze %dma_start3A_6 : memref<1x56x128xi32, #tpu.memory_space<hbm>> -> memref<56x128xi32, #tpu.memory_space<hbm>>
      %dma_start3A_8 = arith.constant 0 : i32
      %dma_start3A_9 = arith.constant 0 : i32
      %dma_start3A_10 = tpu.memref_slice %arg3[%add3A, %dma_start3A_8, %dma_start3A_9] : memref<32x56x128xi32, #tpu.memory_space<hbm>> -> memref<1x56x128xi32, #tpu.memory_space<hbm>>
      %dma_start3A_11 = tpu.memref_squeeze %dma_start3A_10 : memref<1x56x128xi32, #tpu.memory_space<hbm>> -> memref<56x128xi32, #tpu.memory_space<hbm>>
      tpu.enqueue_dma source(%dma_start3A_11 : memref<56x128xi32, #tpu.memory_space<hbm>>) target(%arg7 : memref<56x128xi32, #tpu.memory_space<vmem>>) target_semaphore(%run_scoped3A : memref<!tpu.dma_semaphore, #tpu.memory_space<semaphore_mem>>)
      %dma_wait3A = arith.constant 0 : i32
      %dma_wait3A_12 = arith.constant 0 : i32
      %dma_wait3A_13 = tpu.memref_slice %arg3[%add3A, %dma_wait3A, %dma_wait3A_12] : memref<32x56x128xi32, #tpu.memory_space<hbm>> -> memref<1x56x128xi32, #tpu.memory_space<hbm>>
      %dma_wait3A_14 = tpu.memref_squeeze %dma_wait3A_13 : memref<1x56x128xi32, #tpu.memory_space<hbm>> -> memref<56x128xi32, #tpu.memory_space<hbm>>
      %dma_wait3A_15 = arith.constant 0 : i32
      %dma_wait3A_16 = arith.constant 0 : i32
      %dma_wait3A_17 = tpu.memref_slice %arg3[%add3A, %dma_wait3A_15, %dma_wait3A_16] : memref<32x56x128xi32, #tpu.memory_space<hbm>> -> memref<1x56x128xi32, #tpu.memory_space<hbm>>
      %dma_wait3A_18 = tpu.memref_squeeze %dma_wait3A_17 : memref<1x56x128xi32, #tpu.memory_space<hbm>> -> memref<56x128xi32, #tpu.memory_space<hbm>>
      tpu.wait_dma2 semaphore(%run_scoped3A : memref<!tpu.dma_semaphore, #tpu.memory_space<semaphore_mem>>) src(%dma_wait3A_18 : memref<56x128xi32, #tpu.memory_space<hbm>>) dst(%arg7 : memref<56x128xi32, #tpu.memory_space<vmem>>)
      tpu.yield
    }) : () -> ()
    "tpu.region"() ({
      %run_scoped3A = tpu.sem_alloc : memref<!tpu.dma_semaphore, #tpu.memory_space<semaphore_mem>>
      %dma_start3A = arith.constant 0 : i32
      %dma_start3A_5 = arith.constant 0 : i32
      %dma_start3A_6 = tpu.memref_slice %arg4[%add3A, %dma_start3A, %dma_start3A_5] : memref<32x56x128xi32, #tpu.memory_space<hbm>> -> memref<1x56x128xi32, #tpu.memory_space<hbm>>
      %dma_start3A_7 = tpu.memref_squeeze %dma_start3A_6 : memref<1x56x128xi32, #tpu.memory_space<hbm>> -> memref<56x128xi32, #tpu.memory_space<hbm>>
      %dma_start3A_8 = arith.constant 0 : i32
      %dma_start3A_9 = arith.constant 0 : i32
      %dma_start3A_10 = tpu.memref_slice %arg4[%add3A, %dma_start3A_8, %dma_start3A_9] : memref<32x56x128xi32, #tpu.memory_space<hbm>> -> memref<1x56x128xi32, #tpu.memory_space<hbm>>
      %dma_start3A_11 = tpu.memref_squeeze %dma_start3A_10 : memref<1x56x128xi32, #tpu.memory_space<hbm>> -> memref<56x128xi32, #tpu.memory_space<hbm>>
      tpu.enqueue_dma source(%dma_start3A_11 : memref<56x128xi32, #tpu.memory_space<hbm>>) target(%arg8 : memref<56x128xi32, #tpu.memory_space<vmem>>) target_semaphore(%run_scoped3A : memref<!tpu.dma_semaphore, #tpu.memory_space<semaphore_mem>>)
      %dma_wait3A = arith.constant 0 : i32
      %dma_wait3A_12 = arith.constant 0 : i32
      %dma_wait3A_13 = tpu.memref_slice %arg4[%add3A, %dma_wait3A, %dma_wait3A_12] : memref<32x56x128xi32, #tpu.memory_space<hbm>> -> memref<1x56x128xi32, #tpu.memory_space<hbm>>
      %dma_wait3A_14 = tpu.memref_squeeze %dma_wait3A_13 : memref<1x56x128xi32, #tpu.memory_space<hbm>> -> memref<56x128xi32, #tpu.memory_space<hbm>>
      %dma_wait3A_15 = arith.constant 0 : i32
      %dma_wait3A_16 = arith.constant 0 : i32
      %dma_wait3A_17 = tpu.memref_slice %arg4[%add3A, %dma_wait3A_15, %dma_wait3A_16] : memref<32x56x128xi32, #tpu.memory_space<hbm>> -> memref<1x56x128xi32, #tpu.memory_space<hbm>>
      %dma_wait3A_18 = tpu.memref_squeeze %dma_wait3A_17 : memref<1x56x128xi32, #tpu.memory_space<hbm>> -> memref<56x128xi32, #tpu.memory_space<hbm>>
      tpu.wait_dma2 semaphore(%run_scoped3A : memref<!tpu.dma_semaphore, #tpu.memory_space<semaphore_mem>>) src(%dma_wait3A_18 : memref<56x128xi32, #tpu.memory_space<hbm>>) dst(%arg8 : memref<56x128xi32, #tpu.memory_space<vmem>>)
      tpu.yield
    }) : () -> ()
    %scan3A = arith.constant 0 : i32
    %scan3A_1 = arith.constant 56 : i32
    %scan3A_2 = arith.addi %scan3A, %scan3A_1 : i32
    %scan3A_3 = arith.constant 1 : i32
    scf.for %scan3A_5 = %scan3A to %scan3A_2 step %scan3A_3  : i32 {
      %mul3A_6 = arith.constant 1 : i32
      %mul3A_7 = arith.muli %scan3A_5, %mul3A_6 : i32
      %add3A_8 = arith.constant 0 : i32
      %add3A_9 = arith.addi %add3A_8, %mul3A_7 : i32
      %dma_start3A = arith.constant 0 : i32
      %dma_start3A_10 = tpu.memref_slice %arg7[%add3A_9, %dma_start3A] : memref<56x128xi32, #tpu.memory_space<vmem>> -> memref<1x128xi32, #tpu.memory_space<vmem>>
      %dma_start3A_11 = tpu.memref_squeeze %dma_start3A_10 : memref<1x128xi32, #tpu.memory_space<vmem>> -> memref<128xi32, #tpu.memory_space<vmem>>
      %dma_start3A_12 = arith.constant 0 : i32
      %dma_start3A_13 = arith.constant 0 : i32
      %dma_start3A_14 = tpu.memref_slice %arg2[%dma_start3A_12, %dma_start3A_13] : memref<10240x128xf32, #tpu.memory_space<hbm>> -> memref<10240x128xf32, #tpu.memory_space<hbm>>
      tpu.enqueue_indirect_dma source(%dma_start3A_14 : memref<10240x128xf32, #tpu.memory_space<hbm>>) target(%arg9 : memref<128x128xf32, #tpu.memory_space<vmem>>) offsets(%dma_start3A_11 : memref<128xi32, #tpu.memory_space<vmem>>) semaphore(%arg11 : memref<!tpu.dma_semaphore, #tpu.memory_space<semaphore_mem>>)
      %dma_start3A_15 = arith.constant 0 : i32
      %dma_start3A_16 = tpu.memref_slice %arg8[%add3A_9, %dma_start3A_15] : memref<56x128xi32, #tpu.memory_space<vmem>> -> memref<1x128xi32, #tpu.memory_space<vmem>>
      %dma_start3A_17 = tpu.memref_squeeze %dma_start3A_16 : memref<1x128xi32, #tpu.memory_space<vmem>> -> memref<128xi32, #tpu.memory_space<vmem>>
      %dma_start3A_18 = arith.constant 0 : i32
      %dma_start3A_19 = arith.constant 0 : i32
      %dma_start3A_20 = tpu.memref_slice %arg2[%dma_start3A_18, %dma_start3A_19] : memref<10240x128xf32, #tpu.memory_space<hbm>> -> memref<10240x128xf32, #tpu.memory_space<hbm>>
      tpu.enqueue_indirect_dma source(%dma_start3A_20 : memref<10240x128xf32, #tpu.memory_space<hbm>>) target(%arg10 : memref<128x128xf32, #tpu.memory_space<vmem>>) offsets(%dma_start3A_17 : memref<128xi32, #tpu.memory_space<vmem>>) semaphore(%arg11 : memref<!tpu.dma_semaphore, #tpu.memory_space<semaphore_mem>>)
      %dma_wait3A = arith.constant 0 : i32
      %dma_wait3A_21 = tpu.memref_slice %arg7[%add3A_9, %dma_wait3A] : memref<56x128xi32, #tpu.memory_space<vmem>> -> memref<1x128xi32, #tpu.memory_space<vmem>>
      %dma_wait3A_22 = tpu.memref_squeeze %dma_wait3A_21 : memref<1x128xi32, #tpu.memory_space<vmem>> -> memref<128xi32, #tpu.memory_space<vmem>>
      %dma_wait3A_23 = arith.constant 0 : i32
      %dma_wait3A_24 = arith.constant 0 : i32
      %dma_wait3A_25 = tpu.memref_slice %arg2[%dma_wait3A_23, %dma_wait3A_24] : memref<10240x128xf32, #tpu.memory_space<hbm>> -> memref<10240x128xf32, #tpu.memory_space<hbm>>
      tpu.wait_indirect_dma semaphore(%arg11 : memref<!tpu.dma_semaphore, #tpu.memory_space<semaphore_mem>>) src(%dma_wait3A_25 : memref<10240x128xf32, #tpu.memory_space<hbm>>) dst(%arg9 : memref<128x128xf32, #tpu.memory_space<vmem>>)
      %dma_wait3A_26 = arith.constant 0 : i32
      %dma_wait3A_27 = tpu.memref_slice %arg8[%add3A_9, %dma_wait3A_26] : memref<56x128xi32, #tpu.memory_space<vmem>> -> memref<1x128xi32, #tpu.memory_space<vmem>>
      %dma_wait3A_28 = tpu.memref_squeeze %dma_wait3A_27 : memref<1x128xi32, #tpu.memory_space<vmem>> -> memref<128xi32, #tpu.memory_space<vmem>>
      %dma_wait3A_29 = arith.constant 0 : i32
      %dma_wait3A_30 = arith.constant 0 : i32
      %dma_wait3A_31 = tpu.memref_slice %arg2[%dma_wait3A_29, %dma_wait3A_30] : memref<10240x128xf32, #tpu.memory_space<hbm>> -> memref<10240x128xf32, #tpu.memory_space<hbm>>
      tpu.wait_indirect_dma semaphore(%arg11 : memref<!tpu.dma_semaphore, #tpu.memory_space<semaphore_mem>>) src(%dma_wait3A_31 : memref<10240x128xf32, #tpu.memory_space<hbm>>) dst(%arg10 : memref<128x128xf32, #tpu.memory_space<vmem>>)
      %mul3A_32 = arith.constant 128 : i32
      %mul3A_33 = arith.muli %add3A_9, %mul3A_32 : i32
      "tpu.region"() ({
        %run_scoped3A = tpu.sem_alloc : memref<!tpu.dma_semaphore, #tpu.memory_space<semaphore_mem>>
        %dma_start3A_36 = arith.constant 0 : i32
        %dma_start3A_37 = tpu.memref_slice %arg5[%add3A, %mul3A_33, %dma_start3A_36] : memref<32x7168x128xf32, #tpu.memory_space<hbm>> -> memref<1x128x128xf32, #tpu.memory_space<hbm>>
        %dma_start3A_38 = tpu.memref_squeeze %dma_start3A_37 : memref<1x128x128xf32, #tpu.memory_space<hbm>> -> memref<128x128xf32, #tpu.memory_space<hbm>>
        %dma_start3A_39 = arith.constant 0 : i32
        %dma_start3A_40 = tpu.memref_slice %arg5[%add3A, %mul3A_33, %dma_start3A_39] : memref<32x7168x128xf32, #tpu.memory_space<hbm>> -> memref<1x128x128xf32, #tpu.memory_space<hbm>>
        %dma_start3A_41 = tpu.memref_squeeze %dma_start3A_40 : memref<1x128x128xf32, #tpu.memory_space<hbm>> -> memref<128x128xf32, #tpu.memory_space<hbm>>
        tpu.enqueue_dma source(%arg9 : memref<128x128xf32, #tpu.memory_space<vmem>>) target(%dma_start3A_41 : memref<128x128xf32, #tpu.memory_space<hbm>>) target_semaphore(%run_scoped3A : memref<!tpu.dma_semaphore, #tpu.memory_space<semaphore_mem>>)
        %dma_wait3A_42 = arith.constant 0 : i32
        %dma_wait3A_43 = tpu.memref_slice %arg5[%add3A, %mul3A_33, %dma_wait3A_42] : memref<32x7168x128xf32, #tpu.memory_space<hbm>> -> memref<1x128x128xf32, #tpu.memory_space<hbm>>
        %dma_wait3A_44 = tpu.memref_squeeze %dma_wait3A_43 : memref<1x128x128xf32, #tpu.memory_space<hbm>> -> memref<128x128xf32, #tpu.memory_space<hbm>>
        %dma_wait3A_45 = arith.constant 0 : i32
        %dma_wait3A_46 = tpu.memref_slice %arg5[%add3A, %mul3A_33, %dma_wait3A_45] : memref<32x7168x128xf32, #tpu.memory_space<hbm>> -> memref<1x128x128xf32, #tpu.memory_space<hbm>>
        %dma_wait3A_47 = tpu.memref_squeeze %dma_wait3A_46 : memref<1x128x128xf32, #tpu.memory_space<hbm>> -> memref<128x128xf32, #tpu.memory_space<hbm>>
        tpu.wait_dma2 semaphore(%run_scoped3A : memref<!tpu.dma_semaphore, #tpu.memory_space<semaphore_mem>>) src(%arg9 : memref<128x128xf32, #tpu.memory_space<vmem>>) dst(%dma_wait3A_47 : memref<128x128xf32, #tpu.memory_space<hbm>>)
        tpu.yield
      }) : () -> ()
      %mul3A_34 = arith.constant 128 : i32
      %mul3A_35 = arith.muli %add3A_9, %mul3A_34 : i32
      "tpu.region"() ({
        %run_scoped3A = tpu.sem_alloc : memref<!tpu.dma_semaphore, #tpu.memory_space<semaphore_mem>>
        %dma_start3A_36 = arith.constant 0 : i32
        %dma_start3A_37 = tpu.memref_slice %arg6[%add3A, %mul3A_35, %dma_start3A_36] : memref<32x7168x128xf32, #tpu.memory_space<hbm>> -> memref<1x128x128xf32, #tpu.memory_space<hbm>>
        %dma_start3A_38 = tpu.memref_squeeze %dma_start3A_37 : memref<1x128x128xf32, #tpu.memory_space<hbm>> -> memref<128x128xf32, #tpu.memory_space<hbm>>
        %dma_start3A_39 = arith.constant 0 : i32
        %dma_start3A_40 = tpu.memref_slice %arg6[%add3A, %mul3A_35, %dma_start3A_39] : memref<32x7168x128xf32, #tpu.memory_space<hbm>> -> memref<1x128x128xf32, #tpu.memory_space<hbm>>
        %dma_start3A_41 = tpu.memref_squeeze %dma_start3A_40 : memref<1x128x128xf32, #tpu.memory_space<hbm>> -> memref<128x128xf32, #tpu.memory_space<hbm>>
        tpu.enqueue_dma source(%arg10 : memref<128x128xf32, #tpu.memory_space<vmem>>) target(%dma_start3A_41 : memref<128x128xf32, #tpu.memory_space<hbm>>) target_semaphore(%run_scoped3A : memref<!tpu.dma_semaphore, #tpu.memory_space<semaphore_mem>>)
        %dma_wait3A_42 = arith.constant 0 : i32
        %dma_wait3A_43 = tpu.memref_slice %arg6[%add3A, %mul3A_35, %dma_wait3A_42] : memref<32x7168x128xf32, #tpu.memory_space<hbm>> -> memref<1x128x128xf32, #tpu.memory_space<hbm>>
        %dma_wait3A_44 = tpu.memref_squeeze %dma_wait3A_43 : memref<1x128x128xf32, #tpu.memory_space<hbm>> -> memref<128x128xf32, #tpu.memory_space<hbm>>
        %dma_wait3A_45 = arith.constant 0 : i32
        %dma_wait3A_46 = tpu.memref_slice %arg6[%add3A, %mul3A_35, %dma_wait3A_45] : memref<32x7168x128xf32, #tpu.memory_space<hbm>> -> memref<1x128x128xf32, #tpu.memory_space<hbm>>
        %dma_wait3A_47 = tpu.memref_squeeze %dma_wait3A_46 : memref<1x128x128xf32, #tpu.memory_space<hbm>> -> memref<128x128xf32, #tpu.memory_space<hbm>>
        tpu.wait_dma2 semaphore(%run_scoped3A : memref<!tpu.dma_semaphore, #tpu.memory_space<semaphore_mem>>) src(%arg10 : memref<128x128xf32, #tpu.memory_space<vmem>>) dst(%dma_wait3A_47 : memref<128x128xf32, #tpu.memory_space<hbm>>)
        tpu.yield
      }) : () -> ()
    }
    %scan3A_4 = arith.constant 56 : i32
    return
  }
}

#map = affine_map<(d0, d1) -> (0, 0, 0)>
module attributes {stable_mosaic.version = 14 : i64} {
  func.func @k(%arg0: i32, %arg1: i32, %arg2: memref<32x80x128xi32, #tpu.memory_space<hbm>>, %arg3: memref<2x10240x16xf32, #tpu.memory_space<hbm>>, %arg4: memref<80x128xi32, #tpu.memory_space<vmem>>, %arg5: memref<128x16xf32, #tpu.memory_space<vmem>>, %arg6: memref<128x16xf32, #tpu.memory_space<vmem>>, %arg7: memref<10240x16xf32, #tpu.memory_space<vmem_shared>>) attributes {dimension_semantics = [#tpu.dimension_semantics<core_parallel>, #tpu.dimension_semantics<subcore_parallel>], iteration_bounds = array<i64: 2, 16>, scalar_prefetch = 0 : i64, scratch_operands = 4 : i64, tpu.core_type = #tpu.core_type<sc_vector_subcore>, window_params = [{transform_indices = #map}, {transform_indices = #map}]} {
    %mul3A = arith.constant 2 : i32
    %mul3A_0 = arith.muli %arg1, %mul3A : i32
    %add3A = arith.addi %mul3A_0, %arg0 : i32
    %broadcast_in_dim3A = arith.constant 1.000000e+00 : f32
    %broadcast_in_dim3A_1 = vector.broadcast %broadcast_in_dim3A : f32 to vector<16xf32>
    %broadcast_in_dim3A_2 = arith.constant 0.000000e+00 : f32
    %broadcast_in_dim3A_3 = vector.broadcast %broadcast_in_dim3A_2 : f32 to vector<16xf32>
    %scan3A = arith.constant 0 : i32
    %scan3A_4 = arith.constant 128 : i32
    %scan3A_5 = arith.addi %scan3A, %scan3A_4 : i32
    %scan3A_6 = arith.constant 1 : i32
    scf.for %scan3A_23 = %scan3A to %scan3A_5 step %scan3A_6  : i32 {
      %mul3A_24 = arith.constant 1 : i32
      %mul3A_25 = arith.muli %scan3A_23, %mul3A_24 : i32
      %add3A_26 = arith.constant 0 : i32
      %add3A_27 = arith.addi %add3A_26, %mul3A_25 : i32
      %swap3A = arith.index_cast %add3A_27 : i32 to index
      %swap3A_28 = arith.constant 0 : index
      %swap3A_29 = tpu.vector_load %arg5[%swap3A, %swap3A_28] {strides = array<i32>} : memref<128x16xf32, #tpu.memory_space<vmem>>, vector<1x16xf32>,
      %swap3A_30 = vector.shape_cast %swap3A_29 : vector<1x16xf32> to vector<16xf32>
      %swap3A_31 = vector.shape_cast %broadcast_in_dim3A_1 : vector<16xf32> to vector<1x16xf32>
      tpu.vector_store %arg5[%swap3A, %swap3A_28], %swap3A_31 {strides = array<i32>} : memref<128x16xf32, #tpu.memory_space<vmem>>, vector<1x16xf32>,
      %swap3A_32 = arith.index_cast %add3A_27 : i32 to index
      %swap3A_33 = arith.constant 0 : index
      %swap3A_34 = tpu.vector_load %arg6[%swap3A_32, %swap3A_33] {strides = array<i32>} : memref<128x16xf32, #tpu.memory_space<vmem>>, vector<1x16xf32>,
      %swap3A_35 = vector.shape_cast %swap3A_34 : vector<1x16xf32> to vector<16xf32>
      %swap3A_36 = vector.shape_cast %broadcast_in_dim3A_3 : vector<16xf32> to vector<1x16xf32>
      tpu.vector_store %arg6[%swap3A_32, %swap3A_33], %swap3A_36 {strides = array<i32>} : memref<128x16xf32, #tpu.memory_space<vmem>>, vector<1x16xf32>,
    }
    %scan3A_7 = arith.constant 128 : i32
    %scan3A_8 = arith.constant 0 : i32
    %scan3A_9 = arith.constant 5 : i32
    %scan3A_10 = arith.addi %scan3A_8, %scan3A_9 : i32
    %scan3A_11 = arith.constant 1 : i32
    scf.for %scan3A_23 = %scan3A_8 to %scan3A_10 step %scan3A_11  : i32 {
      %mul3A_24 = arith.constant 1 : i32
      %mul3A_25 = arith.muli %scan3A_23, %mul3A_24 : i32
      %add3A_26 = arith.constant 0 : i32
      %add3A_27 = arith.addi %add3A_26, %mul3A_25 : i32
      %mul3A_28 = arith.constant 640 : i32
      %mul3A_29 = arith.muli %arg1, %mul3A_28 : i32
      %mul3A_30 = arith.constant 128 : i32
      %mul3A_31 = arith.muli %add3A_27, %mul3A_30 : i32
      %add3A_32 = arith.addi %mul3A_29, %mul3A_31 : i32
      "tpu.region"() ({
        %run_scoped3A = tpu.sem_alloc : memref<!tpu.dma_semaphore, #tpu.memory_space<semaphore_mem>>
        %dma_start3A = arith.constant 0 : i32
        %dma_start3A_33 = tpu.memref_slice %arg7[%add3A_32, %dma_start3A] : memref<10240x16xf32, #tpu.memory_space<vmem_shared>> -> memref<128x16xf32, #tpu.memory_space<vmem_shared>>
        %dma_start3A_34 = arith.constant 0 : i32
        %dma_start3A_35 = tpu.memref_slice %arg7[%add3A_32, %dma_start3A_34] : memref<10240x16xf32, #tpu.memory_space<vmem_shared>> -> memref<128x16xf32, #tpu.memory_space<vmem_shared>>
        tpu.enqueue_dma source(%arg6 : memref<128x16xf32, #tpu.memory_space<vmem>>) target(%dma_start3A_35 : memref<128x16xf32, #tpu.memory_space<vmem_shared>>) target_semaphore(%run_scoped3A : memref<!tpu.dma_semaphore, #tpu.memory_space<semaphore_mem>>)
        %dma_wait3A = arith.constant 0 : i32
        %dma_wait3A_36 = tpu.memref_slice %arg7[%add3A_32, %dma_wait3A] : memref<10240x16xf32, #tpu.memory_space<vmem_shared>> -> memref<128x16xf32, #tpu.memory_space<vmem_shared>>
        %dma_wait3A_37 = arith.constant 0 : i32
        %dma_wait3A_38 = tpu.memref_slice %arg7[%add3A_32, %dma_wait3A_37] : memref<10240x16xf32, #tpu.memory_space<vmem_shared>> -> memref<128x16xf32, #tpu.memory_space<vmem_shared>>
        tpu.wait_dma2 semaphore(%run_scoped3A : memref<!tpu.dma_semaphore, #tpu.memory_space<semaphore_mem>>) src(%arg6 : memref<128x16xf32, #tpu.memory_space<vmem>>) dst(%dma_wait3A_38 : memref<128x16xf32, #tpu.memory_space<vmem_shared>>)
        tpu.yield
      }) : () -> ()
    }
    %scan3A_12 = arith.constant 5 : i32
    %barrier3A = arith.constant 0 : index
    tpu.barrier barrier_id(%barrier3A)
    "tpu.region"() ({
      %run_scoped3A = tpu.sem_alloc : memref<!tpu.dma_semaphore, #tpu.memory_space<semaphore_mem>>
      %dma_start3A = arith.constant 0 : i32
      %dma_start3A_23 = arith.constant 0 : i32
      %dma_start3A_24 = tpu.memref_slice %arg2[%add3A, %dma_start3A, %dma_start3A_23] : memref<32x80x128xi32, #tpu.memory_space<hbm>> -> memref<1x80x128xi32, #tpu.memory_space<hbm>>
      %dma_start3A_25 = tpu.memref_squeeze %dma_start3A_24 : memref<1x80x128xi32, #tpu.memory_space<hbm>> -> memref<80x128xi32, #tpu.memory_space<hbm>>
      %dma_start3A_26 = arith.constant 0 : i32
      %dma_start3A_27 = arith.constant 0 : i32
      %dma_start3A_28 = tpu.memref_slice %arg2[%add3A, %dma_start3A_26, %dma_start3A_27] : memref<32x80x128xi32, #tpu.memory_space<hbm>> -> memref<1x80x128xi32, #tpu.memory_space<hbm>>
      %dma_start3A_29 = tpu.memref_squeeze %dma_start3A_28 : memref<1x80x128xi32, #tpu.memory_space<hbm>> -> memref<80x128xi32, #tpu.memory_space<hbm>>
      tpu.enqueue_dma source(%dma_start3A_29 : memref<80x128xi32, #tpu.memory_space<hbm>>) target(%arg4 : memref<80x128xi32, #tpu.memory_space<vmem>>) target_semaphore(%run_scoped3A : memref<!tpu.dma_semaphore, #tpu.memory_space<semaphore_mem>>)
      %dma_wait3A = arith.constant 0 : i32
      %dma_wait3A_30 = arith.constant 0 : i32
      %dma_wait3A_31 = tpu.memref_slice %arg2[%add3A, %dma_wait3A, %dma_wait3A_30] : memref<32x80x128xi32, #tpu.memory_space<hbm>> -> memref<1x80x128xi32, #tpu.memory_space<hbm>>
      %dma_wait3A_32 = tpu.memref_squeeze %dma_wait3A_31 : memref<1x80x128xi32, #tpu.memory_space<hbm>> -> memref<80x128xi32, #tpu.memory_space<hbm>>
      %dma_wait3A_33 = arith.constant 0 : i32
      %dma_wait3A_34 = arith.constant 0 : i32
      %dma_wait3A_35 = tpu.memref_slice %arg2[%add3A, %dma_wait3A_33, %dma_wait3A_34] : memref<32x80x128xi32, #tpu.memory_space<hbm>> -> memref<1x80x128xi32, #tpu.memory_space<hbm>>
      %dma_wait3A_36 = tpu.memref_squeeze %dma_wait3A_35 : memref<1x80x128xi32, #tpu.memory_space<hbm>> -> memref<80x128xi32, #tpu.memory_space<hbm>>
      tpu.wait_dma2 semaphore(%run_scoped3A : memref<!tpu.dma_semaphore, #tpu.memory_space<semaphore_mem>>) src(%dma_wait3A_36 : memref<80x128xi32, #tpu.memory_space<hbm>>) dst(%arg4 : memref<80x128xi32, #tpu.memory_space<vmem>>)
      tpu.yield
    }) : () -> ()
    %scan3A_13 = arith.constant 0 : i32
    %scan3A_14 = arith.constant 80 : i32
    %scan3A_15 = arith.addi %scan3A_13, %scan3A_14 : i32
    %scan3A_16 = arith.constant 1 : i32
    scf.for %scan3A_23 = %scan3A_13 to %scan3A_15 step %scan3A_16  : i32 {
      %mul3A_24 = arith.constant 1 : i32
      %mul3A_25 = arith.muli %scan3A_23, %mul3A_24 : i32
      %add3A_26 = arith.constant 0 : i32
      %add3A_27 = arith.addi %add3A_26, %mul3A_25 : i32
      "tpu.region"() ({
        %run_scoped3A = tpu.sem_alloc : memref<!tpu.dma_semaphore, #tpu.memory_space<semaphore_mem>>
        %dma_start3A = arith.constant 0 : i32
        %dma_start3A_28 = tpu.memref_slice %arg4[%add3A_27, %dma_start3A] : memref<80x128xi32, #tpu.memory_space<vmem>> -> memref<1x128xi32, #tpu.memory_space<vmem>>
        %dma_start3A_29 = tpu.memref_squeeze %dma_start3A_28 : memref<1x128xi32, #tpu.memory_space<vmem>> -> memref<128xi32, #tpu.memory_space<vmem>>
        %dma_start3A_30 = arith.constant 0 : i32
        %dma_start3A_31 = arith.constant 0 : i32
        %dma_start3A_32 = tpu.memref_slice %arg7[%dma_start3A_30, %dma_start3A_31] : memref<10240x16xf32, #tpu.memory_space<vmem_shared>> -> memref<10240x16xf32, #tpu.memory_space<vmem_shared>>
        tpu.enqueue_indirect_dma source(%arg5 : memref<128x16xf32, #tpu.memory_space<vmem>>) target(%dma_start3A_32 : memref<10240x16xf32, #tpu.memory_space<vmem_shared>>) offsets(%dma_start3A_29 : memref<128xi32, #tpu.memory_space<vmem>>) semaphore(%run_scoped3A : memref<!tpu.dma_semaphore, #tpu.memory_space<semaphore_mem>>) {add = true}
        %dma_wait3A = arith.constant 0 : i32
        %dma_wait3A_33 = tpu.memref_slice %arg4[%add3A_27, %dma_wait3A] : memref<80x128xi32, #tpu.memory_space<vmem>> -> memref<1x128xi32, #tpu.memory_space<vmem>>
        %dma_wait3A_34 = tpu.memref_squeeze %dma_wait3A_33 : memref<1x128xi32, #tpu.memory_space<vmem>> -> memref<128xi32, #tpu.memory_space<vmem>>
        %dma_wait3A_35 = arith.constant 0 : i32
        %dma_wait3A_36 = arith.constant 0 : i32
        %dma_wait3A_37 = tpu.memref_slice %arg7[%dma_wait3A_35, %dma_wait3A_36] : memref<10240x16xf32, #tpu.memory_space<vmem_shared>> -> memref<10240x16xf32, #tpu.memory_space<vmem_shared>>
        tpu.wait_indirect_dma semaphore(%run_scoped3A : memref<!tpu.dma_semaphore, #tpu.memory_space<semaphore_mem>>) src(%arg5 : memref<128x16xf32, #tpu.memory_space<vmem>>) dst(%dma_wait3A_37 : memref<10240x16xf32, #tpu.memory_space<vmem_shared>>)
        tpu.yield
      }) : () -> ()
    }
    %scan3A_17 = arith.constant 80 : i32
    %barrier3A_18 = arith.constant 0 : index
    tpu.barrier barrier_id(%barrier3A_18)
    %mul3A_19 = arith.constant 640 : i32
    %mul3A_20 = arith.muli %arg1, %mul3A_19 : i32
    %mul3A_21 = arith.constant 640 : i32
    %mul3A_22 = arith.muli %arg1, %mul3A_21 : i32
    "tpu.region"() ({
      %run_scoped3A = tpu.sem_alloc : memref<!tpu.dma_semaphore, #tpu.memory_space<semaphore_mem>>
      %dma_start3A = arith.constant 0 : i32
      %dma_start3A_23 = tpu.memref_slice %arg3[%arg0, %mul3A_22, %dma_start3A] : memref<2x10240x16xf32, #tpu.memory_space<hbm>> -> memref<1x640x16xf32, #tpu.memory_space<hbm>>
      %dma_start3A_24 = tpu.memref_squeeze %dma_start3A_23 : memref<1x640x16xf32, #tpu.memory_space<hbm>> -> memref<640x16xf32, #tpu.memory_space<hbm>>
      %dma_start3A_25 = arith.constant 0 : i32
      %dma_start3A_26 = tpu.memref_slice %arg7[%mul3A_20, %dma_start3A_25] : memref<10240x16xf32, #tpu.memory_space<vmem_shared>> -> memref<640x16xf32, #tpu.memory_space<vmem_shared>>
      tpu.enqueue_dma source(%dma_start3A_26 : memref<640x16xf32, #tpu.memory_space<vmem_shared>>) target(%dma_start3A_24 : memref<640x16xf32, #tpu.memory_space<hbm>>) target_semaphore(%run_scoped3A : memref<!tpu.dma_semaphore, #tpu.memory_space<semaphore_mem>>)
      %dma_wait3A = arith.constant 0 : i32
      %dma_wait3A_27 = tpu.memref_slice %arg3[%arg0, %mul3A_22, %dma_wait3A] : memref<2x10240x16xf32, #tpu.memory_space<hbm>> -> memref<1x640x16xf32, #tpu.memory_space<hbm>>
      %dma_wait3A_28 = tpu.memref_squeeze %dma_wait3A_27 : memref<1x640x16xf32, #tpu.memory_space<hbm>> -> memref<640x16xf32, #tpu.memory_space<hbm>>
      %dma_wait3A_29 = arith.constant 0 : i32
      %dma_wait3A_30 = tpu.memref_slice %arg7[%mul3A_20, %dma_wait3A_29] : memref<10240x16xf32, #tpu.memory_space<vmem_shared>> -> memref<640x16xf32, #tpu.memory_space<vmem_shared>>
      tpu.wait_dma2 semaphore(%run_scoped3A : memref<!tpu.dma_semaphore, #tpu.memory_space<semaphore_mem>>) src(%dma_wait3A_30 : memref<640x16xf32, #tpu.memory_space<vmem_shared>>) dst(%dma_wait3A_28 : memref<640x16xf32, #tpu.memory_space<hbm>>)
      tpu.yield
    }) : () -> ()
    return
  }
}

#map = affine_map<(d0, d1) -> (0, 0)>
#map1 = affine_map<(d0, d1) -> (0)>
#map2 = affine_map<(d0, d1) -> (0, 0, 0)>
module attributes {stable_mosaic.version = 14 : i64} {
  func.func @k(%arg0: i32, %arg1: i32, %arg2: memref<10240x128xf32, #tpu.memory_space<hbm>>, %arg3: memref<327680xi32, #tpu.memory_space<hbm>>, %arg4: memref<327680xi32, #tpu.memory_space<hbm>>, %arg5: memref<2x10240x128xf32, #tpu.memory_space<hbm>>, %arg6: memref<256xi32, #tpu.memory_space<vmem>>, %arg7: memref<256xi32, #tpu.memory_space<vmem>>, %arg8: memref<256x128xf32, #tpu.memory_space<vmem>>, %arg9: memref<10240x128xf32, #tpu.memory_space<vmem_shared>>, %arg10: memref<!tpu.dma_semaphore, #tpu.memory_space<semaphore_mem>>) attributes {dimension_semantics = [#tpu.dimension_semantics<core_parallel>, #tpu.dimension_semantics<subcore_parallel>], iteration_bounds = array<i64: 2, 16>, scalar_prefetch = 0 : i64, scratch_operands = 5 : i64, tpu.core_type = #tpu.core_type<sc_vector_subcore>, window_params = [{transform_indices = #map}, {transform_indices = #map1}, {transform_indices = #map1}, {transform_indices = #map2}]} {
    %mul3A = arith.constant 2 : i32
    %mul3A_0 = arith.muli %arg1, %mul3A : i32
    %add3A = arith.addi %mul3A_0, %arg0 : i32
    %broadcast_in_dim3A = arith.constant 0.000000e+00 : f32
    %broadcast_in_dim3A_1 = vector.broadcast %broadcast_in_dim3A : f32 to vector<16xf32>
    %scan3A = arith.constant 0 : i32
    %scan3A_2 = arith.constant 256 : i32
    %scan3A_3 = arith.addi %scan3A, %scan3A_2 : i32
    %scan3A_4 = arith.constant 1 : i32
    scf.for %scan3A_23 = %scan3A to %scan3A_3 step %scan3A_4  : i32 {
      %mul3A_24 = arith.constant 1 : i32
      %mul3A_25 = arith.muli %scan3A_23, %mul3A_24 : i32
      %add3A_26 = arith.constant 0 : i32
      %add3A_27 = arith.addi %add3A_26, %mul3A_25 : i32
      %swap3A = arith.index_cast %add3A_27 : i32 to index
      %swap3A_28 = arith.constant 0 : index
      %swap3A_29 = tpu.vector_load %arg8[%swap3A, %swap3A_28] {strides = array<i32>} : memref<256x128xf32, #tpu.memory_space<vmem>>, vector<1x16xf32>,
      %swap3A_30 = vector.shape_cast %swap3A_29 : vector<1x16xf32> to vector<16xf32>
      %swap3A_31 = vector.shape_cast %broadcast_in_dim3A_1 : vector<16xf32> to vector<1x16xf32>
      tpu.vector_store %arg8[%swap3A, %swap3A_28], %swap3A_31 {strides = array<i32>} : memref<256x128xf32, #tpu.memory_space<vmem>>, vector<1x16xf32>,
      %swap3A_32 = arith.index_cast %add3A_27 : i32 to index
      %swap3A_33 = arith.constant 16 : index
      %swap3A_34 = tpu.vector_load %arg8[%swap3A_32, %swap3A_33] {strides = array<i32>} : memref<256x128xf32, #tpu.memory_space<vmem>>, vector<1x16xf32>,
      %swap3A_35 = vector.shape_cast %swap3A_34 : vector<1x16xf32> to vector<16xf32>
      %swap3A_36 = vector.shape_cast %broadcast_in_dim3A_1 : vector<16xf32> to vector<1x16xf32>
      tpu.vector_store %arg8[%swap3A_32, %swap3A_33], %swap3A_36 {strides = array<i32>} : memref<256x128xf32, #tpu.memory_space<vmem>>, vector<1x16xf32>,
      %swap3A_37 = arith.index_cast %add3A_27 : i32 to index
      %swap3A_38 = arith.constant 32 : index
      %swap3A_39 = tpu.vector_load %arg8[%swap3A_37, %swap3A_38] {strides = array<i32>} : memref<256x128xf32, #tpu.memory_space<vmem>>, vector<1x16xf32>,
      %swap3A_40 = vector.shape_cast %swap3A_39 : vector<1x16xf32> to vector<16xf32>
      %swap3A_41 = vector.shape_cast %broadcast_in_dim3A_1 : vector<16xf32> to vector<1x16xf32>
      tpu.vector_store %arg8[%swap3A_37, %swap3A_38], %swap3A_41 {strides = array<i32>} : memref<256x128xf32, #tpu.memory_space<vmem>>, vector<1x16xf32>,
      %swap3A_42 = arith.index_cast %add3A_27 : i32 to index
      %swap3A_43 = arith.constant 48 : index
      %swap3A_44 = tpu.vector_load %arg8[%swap3A_42, %swap3A_43] {strides = array<i32>} : memref<256x128xf32, #tpu.memory_space<vmem>>, vector<1x16xf32>,
      %swap3A_45 = vector.shape_cast %swap3A_44 : vector<1x16xf32> to vector<16xf32>
      %swap3A_46 = vector.shape_cast %broadcast_in_dim3A_1 : vector<16xf32> to vector<1x16xf32>
      tpu.vector_store %arg8[%swap3A_42, %swap3A_43], %swap3A_46 {strides = array<i32>} : memref<256x128xf32, #tpu.memory_space<vmem>>, vector<1x16xf32>,
      %swap3A_47 = arith.index_cast %add3A_27 : i32 to index
      %swap3A_48 = arith.constant 64 : index
      %swap3A_49 = tpu.vector_load %arg8[%swap3A_47, %swap3A_48] {strides = array<i32>} : memref<256x128xf32, #tpu.memory_space<vmem>>, vector<1x16xf32>,
      %swap3A_50 = vector.shape_cast %swap3A_49 : vector<1x16xf32> to vector<16xf32>
      %swap3A_51 = vector.shape_cast %broadcast_in_dim3A_1 : vector<16xf32> to vector<1x16xf32>
      tpu.vector_store %arg8[%swap3A_47, %swap3A_48], %swap3A_51 {strides = array<i32>} : memref<256x128xf32, #tpu.memory_space<vmem>>, vector<1x16xf32>,
      %swap3A_52 = arith.index_cast %add3A_27 : i32 to index
      %swap3A_53 = arith.constant 80 : index
      %swap3A_54 = tpu.vector_load %arg8[%swap3A_52, %swap3A_53] {strides = array<i32>} : memref<256x128xf32, #tpu.memory_space<vmem>>, vector<1x16xf32>,
      %swap3A_55 = vector.shape_cast %swap3A_54 : vector<1x16xf32> to vector<16xf32>
      %swap3A_56 = vector.shape_cast %broadcast_in_dim3A_1 : vector<16xf32> to vector<1x16xf32>
      tpu.vector_store %arg8[%swap3A_52, %swap3A_53], %swap3A_56 {strides = array<i32>} : memref<256x128xf32, #tpu.memory_space<vmem>>, vector<1x16xf32>,
      %swap3A_57 = arith.index_cast %add3A_27 : i32 to index
      %swap3A_58 = arith.constant 96 : index
      %swap3A_59 = tpu.vector_load %arg8[%swap3A_57, %swap3A_58] {strides = array<i32>} : memref<256x128xf32, #tpu.memory_space<vmem>>, vector<1x16xf32>,
      %swap3A_60 = vector.shape_cast %swap3A_59 : vector<1x16xf32> to vector<16xf32>
      %swap3A_61 = vector.shape_cast %broadcast_in_dim3A_1 : vector<16xf32> to vector<1x16xf32>
      tpu.vector_store %arg8[%swap3A_57, %swap3A_58], %swap3A_61 {strides = array<i32>} : memref<256x128xf32, #tpu.memory_space<vmem>>, vector<1x16xf32>,
      %swap3A_62 = arith.index_cast %add3A_27 : i32 to index
      %swap3A_63 = arith.constant 112 : index
      %swap3A_64 = tpu.vector_load %arg8[%swap3A_62, %swap3A_63] {strides = array<i32>} : memref<256x128xf32, #tpu.memory_space<vmem>>, vector<1x16xf32>,
      %swap3A_65 = vector.shape_cast %swap3A_64 : vector<1x16xf32> to vector<16xf32>
      %swap3A_66 = vector.shape_cast %broadcast_in_dim3A_1 : vector<16xf32> to vector<1x16xf32>
      tpu.vector_store %arg8[%swap3A_62, %swap3A_63], %swap3A_66 {strides = array<i32>} : memref<256x128xf32, #tpu.memory_space<vmem>>, vector<1x16xf32>,
    }
    %scan3A_5 = arith.constant 256 : i32
    %scan3A_6 = arith.constant 0 : i32
    %scan3A_7 = arith.constant 2 : i32
    %scan3A_8 = arith.addi %scan3A_6, %scan3A_7 : i32
    %scan3A_9 = arith.constant 1 : i32
    scf.for %scan3A_23 = %scan3A_6 to %scan3A_8 step %scan3A_9  : i32 {
      %mul3A_24 = arith.constant 1 : i32
      %mul3A_25 = arith.muli %scan3A_23, %mul3A_24 : i32
      %add3A_26 = arith.constant 0 : i32
      %add3A_27 = arith.addi %add3A_26, %mul3A_25 : i32
      %mul3A_28 = arith.constant 640 : i32
      %mul3A_29 = arith.muli %arg1, %mul3A_28 : i32
      %mul3A_30 = arith.constant 256 : i32
      %mul3A_31 = arith.muli %add3A_27, %mul3A_30 : i32
      %add3A_32 = arith.addi %mul3A_29, %mul3A_31 : i32
      "tpu.region"() ({
        %run_scoped3A = tpu.sem_alloc : memref<!tpu.dma_semaphore, #tpu.memory_space<semaphore_mem>>
        %dma_start3A = arith.constant 0 : i32
        %dma_start3A_40 = arith.constant 0 : i32
        %dma_start3A_41 = tpu.memref_slice %arg8[%dma_start3A, %dma_start3A_40] : memref<256x128xf32, #tpu.memory_space<vmem>> -> memref<128x128xf32, #tpu.memory_space<vmem>>
        %dma_start3A_42 = arith.constant 0 : i32
        %dma_start3A_43 = tpu.memref_slice %arg9[%add3A_32, %dma_start3A_42] : memref<10240x128xf32, #tpu.memory_space<vmem_shared>> -> memref<128x128xf32, #tpu.memory_space<vmem_shared>>
        %dma_start3A_44 = arith.constant 0 : i32
        %dma_start3A_45 = tpu.memref_slice %arg9[%add3A_32, %dma_start3A_44] : memref<10240x128xf32, #tpu.memory_space<vmem_shared>> -> memref<128x128xf32, #tpu.memory_space<vmem_shared>>
        %dma_start3A_46 = arith.constant 0 : i32
        %dma_start3A_47 = arith.constant 0 : i32
        %dma_start3A_48 = tpu.memref_slice %arg8[%dma_start3A_46, %dma_start3A_47] : memref<256x128xf32, #tpu.memory_space<vmem>> -> memref<128x128xf32, #tpu.memory_space<vmem>>
        tpu.enqueue_dma source(%dma_start3A_48 : memref<128x128xf32, #tpu.memory_space<vmem>>) target(%dma_start3A_45 : memref<128x128xf32, #tpu.memory_space<vmem_shared>>) target_semaphore(%run_scoped3A : memref<!tpu.dma_semaphore, #tpu.memory_space<semaphore_mem>>)
        %dma_wait3A = arith.constant 0 : i32
        %dma_wait3A_49 = arith.constant 0 : i32
        %dma_wait3A_50 = tpu.memref_slice %arg8[%dma_wait3A, %dma_wait3A_49] : memref<256x128xf32, #tpu.memory_space<vmem>> -> memref<128x128xf32, #tpu.memory_space<vmem>>
        %dma_wait3A_51 = arith.constant 0 : i32
        %dma_wait3A_52 = tpu.memref_slice %arg9[%add3A_32, %dma_wait3A_51] : memref<10240x128xf32, #tpu.memory_space<vmem_shared>> -> memref<128x128xf32, #tpu.memory_space<vmem_shared>>
        %dma_wait3A_53 = arith.constant 0 : i32
        %dma_wait3A_54 = tpu.memref_slice %arg9[%add3A_32, %dma_wait3A_53] : memref<10240x128xf32, #tpu.memory_space<vmem_shared>> -> memref<128x128xf32, #tpu.memory_space<vmem_shared>>
        %dma_wait3A_55 = arith.constant 0 : i32
        %dma_wait3A_56 = arith.constant 0 : i32
        %dma_wait3A_57 = tpu.memref_slice %arg8[%dma_wait3A_55, %dma_wait3A_56] : memref<256x128xf32, #tpu.memory_space<vmem>> -> memref<128x128xf32, #tpu.memory_space<vmem>>
        tpu.wait_dma2 semaphore(%run_scoped3A : memref<!tpu.dma_semaphore, #tpu.memory_space<semaphore_mem>>) src(%dma_wait3A_57 : memref<128x128xf32, #tpu.memory_space<vmem>>) dst(%dma_wait3A_54 : memref<128x128xf32, #tpu.memory_space<vmem_shared>>)
        tpu.yield
      }) : () -> ()
      %mul3A_33 = arith.constant 640 : i32
      %mul3A_34 = arith.muli %arg1, %mul3A_33 : i32
      %mul3A_35 = arith.constant 256 : i32
      %mul3A_36 = arith.muli %add3A_27, %mul3A_35 : i32
      %add3A_37 = arith.addi %mul3A_34, %mul3A_36 : i32
      %add3A_38 = arith.constant 128 : i32
      %add3A_39 = arith.addi %add3A_37, %add3A_38 : i32
      "tpu.region"() ({
        %run_scoped3A = tpu.sem_alloc : memref<!tpu.dma_semaphore, #tpu.memory_space<semaphore_mem>>
        %dma_start3A = arith.constant 128 : i32
        %dma_start3A_40 = arith.constant 0 : i32
        %dma_start3A_41 = tpu.memref_slice %arg8[%dma_start3A, %dma_start3A_40] : memref<256x128xf32, #tpu.memory_space<vmem>> -> memref<128x128xf32, #tpu.memory_space<vmem>>
        %dma_start3A_42 = arith.constant 0 : i32
        %dma_start3A_43 = tpu.memref_slice %arg9[%add3A_39, %dma_start3A_42] : memref<10240x128xf32, #tpu.memory_space<vmem_shared>> -> memref<128x128xf32, #tpu.memory_space<vmem_shared>>
        %dma_start3A_44 = arith.constant 0 : i32
        %dma_start3A_45 = tpu.memref_slice %arg9[%add3A_39, %dma_start3A_44] : memref<10240x128xf32, #tpu.memory_space<vmem_shared>> -> memref<128x128xf32, #tpu.memory_space<vmem_shared>>
        %dma_start3A_46 = arith.constant 128 : i32
        %dma_start3A_47 = arith.constant 0 : i32
        %dma_start3A_48 = tpu.memref_slice %arg8[%dma_start3A_46, %dma_start3A_47] : memref<256x128xf32, #tpu.memory_space<vmem>> -> memref<128x128xf32, #tpu.memory_space<vmem>>
        tpu.enqueue_dma source(%dma_start3A_48 : memref<128x128xf32, #tpu.memory_space<vmem>>) target(%dma_start3A_45 : memref<128x128xf32, #tpu.memory_space<vmem_shared>>) target_semaphore(%run_scoped3A : memref<!tpu.dma_semaphore, #tpu.memory_space<semaphore_mem>>)
        %dma_wait3A = arith.constant 128 : i32
        %dma_wait3A_49 = arith.constant 0 : i32
        %dma_wait3A_50 = tpu.memref_slice %arg8[%dma_wait3A, %dma_wait3A_49] : memref<256x128xf32, #tpu.memory_space<vmem>> -> memref<128x128xf32, #tpu.memory_space<vmem>>
        %dma_wait3A_51 = arith.constant 0 : i32
        %dma_wait3A_52 = tpu.memref_slice %arg9[%add3A_39, %dma_wait3A_51] : memref<10240x128xf32, #tpu.memory_space<vmem_shared>> -> memref<128x128xf32, #tpu.memory_space<vmem_shared>>
        %dma_wait3A_53 = arith.constant 0 : i32
        %dma_wait3A_54 = tpu.memref_slice %arg9[%add3A_39, %dma_wait3A_53] : memref<10240x128xf32, #tpu.memory_space<vmem_shared>> -> memref<128x128xf32, #tpu.memory_space<vmem_shared>>
        %dma_wait3A_55 = arith.constant 128 : i32
        %dma_wait3A_56 = arith.constant 0 : i32
        %dma_wait3A_57 = tpu.memref_slice %arg8[%dma_wait3A_55, %dma_wait3A_56] : memref<256x128xf32, #tpu.memory_space<vmem>> -> memref<128x128xf32, #tpu.memory_space<vmem>>
        tpu.wait_dma2 semaphore(%run_scoped3A : memref<!tpu.dma_semaphore, #tpu.memory_space<semaphore_mem>>) src(%dma_wait3A_57 : memref<128x128xf32, #tpu.memory_space<vmem>>) dst(%dma_wait3A_54 : memref<128x128xf32, #tpu.memory_space<vmem_shared>>)
        tpu.yield
      }) : () -> ()
    }
    %scan3A_10 = arith.constant 2 : i32
    %barrier3A = arith.constant 0 : index
    tpu.barrier barrier_id(%barrier3A)
    %mul3A_11 = arith.constant 10240 : i32
    %mul3A_12 = arith.muli %add3A, %mul3A_11 : i32
    %scan3A_13 = arith.constant 0 : i32
    %scan3A_14 = arith.constant 40 : i32
    %scan3A_15 = arith.addi %scan3A_13, %scan3A_14 : i32
    %scan3A_16 = arith.constant 1 : i32
    scf.for %scan3A_23 = %scan3A_13 to %scan3A_15 step %scan3A_16  : i32 {
      %mul3A_24 = arith.constant 1 : i32
      %mul3A_25 = arith.muli %scan3A_23, %mul3A_24 : i32
      %add3A_26 = arith.constant 0 : i32
      %add3A_27 = arith.addi %add3A_26, %mul3A_25 : i32
      %mul3A_28 = arith.constant 256 : i32
      %mul3A_29 = arith.muli %add3A_27, %mul3A_28 : i32
      %add3A_30 = arith.addi %mul3A_12, %mul3A_29 : i32
      "tpu.region"() ({
        %run_scoped3A = tpu.sem_alloc : memref<!tpu.dma_semaphore, #tpu.memory_space<semaphore_mem>>
        %dma_start3A = tpu.memref_slice %arg3[%add3A_30] : memref<327680xi32, #tpu.memory_space<hbm>> -> memref<256xi32, #tpu.memory_space<hbm>>
        %dma_start3A_34 = tpu.memref_slice %arg3[%add3A_30] : memref<327680xi32, #tpu.memory_space<hbm>> -> memref<256xi32, #tpu.memory_space<hbm>>
        tpu.enqueue_dma source(%dma_start3A_34 : memref<256xi32, #tpu.memory_space<hbm>>) target(%arg6 : memref<256xi32, #tpu.memory_space<vmem>>) target_semaphore(%run_scoped3A : memref<!tpu.dma_semaphore, #tpu.memory_space<semaphore_mem>>)
        %dma_wait3A = tpu.memref_slice %arg3[%add3A_30] : memref<327680xi32, #tpu.memory_space<hbm>> -> memref<256xi32, #tpu.memory_space<hbm>>
        %dma_wait3A_35 = tpu.memref_slice %arg3[%add3A_30] : memref<327680xi32, #tpu.memory_space<hbm>> -> memref<256xi32, #tpu.memory_space<hbm>>
        tpu.wait_dma2 semaphore(%run_scoped3A : memref<!tpu.dma_semaphore, #tpu.memory_space<semaphore_mem>>) src(%dma_wait3A_35 : memref<256xi32, #tpu.memory_space<hbm>>) dst(%arg6 : memref<256xi32, #tpu.memory_space<vmem>>)
        tpu.yield
      }) : () -> ()
      %mul3A_31 = arith.constant 256 : i32
      %mul3A_32 = arith.muli %add3A_27, %mul3A_31 : i32
      %add3A_33 = arith.addi %mul3A_12, %mul3A_32 : i32
      "tpu.region"() ({
        %run_scoped3A = tpu.sem_alloc : memref<!tpu.dma_semaphore, #tpu.memory_space<semaphore_mem>>
        %dma_start3A = tpu.memref_slice %arg4[%add3A_33] : memref<327680xi32, #tpu.memory_space<hbm>> -> memref<256xi32, #tpu.memory_space<hbm>>
        %dma_start3A_34 = tpu.memref_slice %arg4[%add3A_33] : memref<327680xi32, #tpu.memory_space<hbm>> -> memref<256xi32, #tpu.memory_space<hbm>>
        tpu.enqueue_dma source(%dma_start3A_34 : memref<256xi32, #tpu.memory_space<hbm>>) target(%arg7 : memref<256xi32, #tpu.memory_space<vmem>>) target_semaphore(%run_scoped3A : memref<!tpu.dma_semaphore, #tpu.memory_space<semaphore_mem>>)
        %dma_wait3A = tpu.memref_slice %arg4[%add3A_33] : memref<327680xi32, #tpu.memory_space<hbm>> -> memref<256xi32, #tpu.memory_space<hbm>>
        %dma_wait3A_35 = tpu.memref_slice %arg4[%add3A_33] : memref<327680xi32, #tpu.memory_space<hbm>> -> memref<256xi32, #tpu.memory_space<hbm>>
        tpu.wait_dma2 semaphore(%run_scoped3A : memref<!tpu.dma_semaphore, #tpu.memory_space<semaphore_mem>>) src(%dma_wait3A_35 : memref<256xi32, #tpu.memory_space<hbm>>) dst(%arg7 : memref<256xi32, #tpu.memory_space<vmem>>)
        tpu.yield
      }) : () -> ()
      "tpu.region"() ({
        %run_scoped3A = tpu.sem_alloc : memref<!tpu.dma_semaphore, #tpu.memory_space<semaphore_mem>>
        %dma_start3A = arith.constant 0 : i32
        %dma_start3A_34 = arith.constant 0 : i32
        %dma_start3A_35 = tpu.memref_slice %arg2[%dma_start3A, %dma_start3A_34] : memref<10240x128xf32, #tpu.memory_space<hbm>> -> memref<10240x128xf32, #tpu.memory_space<hbm>>
        tpu.enqueue_indirect_dma source(%dma_start3A_35 : memref<10240x128xf32, #tpu.memory_space<hbm>>) target(%arg8 : memref<256x128xf32, #tpu.memory_space<vmem>>) offsets(%arg6 : memref<256xi32, #tpu.memory_space<vmem>>) semaphore(%run_scoped3A : memref<!tpu.dma_semaphore, #tpu.memory_space<semaphore_mem>>)
        %dma_wait3A = arith.constant 0 : i32
        %dma_wait3A_36 = arith.constant 0 : i32
        %dma_wait3A_37 = tpu.memref_slice %arg2[%dma_wait3A, %dma_wait3A_36] : memref<10240x128xf32, #tpu.memory_space<hbm>> -> memref<10240x128xf32, #tpu.memory_space<hbm>>
        tpu.wait_indirect_dma semaphore(%run_scoped3A : memref<!tpu.dma_semaphore, #tpu.memory_space<semaphore_mem>>) src(%dma_wait3A_37 : memref<10240x128xf32, #tpu.memory_space<hbm>>) dst(%arg8 : memref<256x128xf32, #tpu.memory_space<vmem>>)
        tpu.yield
      }) : () -> ()
      "tpu.region"() ({
        %run_scoped3A = tpu.sem_alloc : memref<!tpu.dma_semaphore, #tpu.memory_space<semaphore_mem>>
        %dma_start3A = arith.constant 0 : i32
        %dma_start3A_34 = arith.constant 0 : i32
        %dma_start3A_35 = tpu.memref_slice %arg9[%dma_start3A, %dma_start3A_34] : memref<10240x128xf32, #tpu.memory_space<vmem_shared>> -> memref<10240x128xf32, #tpu.memory_space<vmem_shared>>
        tpu.enqueue_indirect_dma source(%arg8 : memref<256x128xf32, #tpu.memory_space<vmem>>) target(%dma_start3A_35 : memref<10240x128xf32, #tpu.memory_space<vmem_shared>>) offsets(%arg7 : memref<256xi32, #tpu.memory_space<vmem>>) semaphore(%run_scoped3A : memref<!tpu.dma_semaphore, #tpu.memory_space<semaphore_mem>>) {add = true}
        %dma_wait3A = arith.constant 0 : i32
        %dma_wait3A_36 = arith.constant 0 : i32
        %dma_wait3A_37 = tpu.memref_slice %arg9[%dma_wait3A, %dma_wait3A_36] : memref<10240x128xf32, #tpu.memory_space<vmem_shared>> -> memref<10240x128xf32, #tpu.memory_space<vmem_shared>>
        tpu.wait_indirect_dma semaphore(%run_scoped3A : memref<!tpu.dma_semaphore, #tpu.memory_space<semaphore_mem>>) src(%arg8 : memref<256x128xf32, #tpu.memory_space<vmem>>) dst(%dma_wait3A_37 : memref<10240x128xf32, #tpu.memory_space<vmem_shared>>)
        tpu.yield
      }) : () -> ()
    }
    %scan3A_17 = arith.constant 40 : i32
    %barrier3A_18 = arith.constant 0 : index
    tpu.barrier barrier_id(%barrier3A_18)
    %mul3A_19 = arith.constant 640 : i32
    %mul3A_20 = arith.muli %arg1, %mul3A_19 : i32
    %mul3A_21 = arith.constant 640 : i32
    %mul3A_22 = arith.muli %arg1, %mul3A_21 : i32
    "tpu.region"() ({
      %run_scoped3A = tpu.sem_alloc : memref<!tpu.dma_semaphore, #tpu.memory_space<semaphore_mem>>
      %dma_start3A = arith.constant 0 : i32
      %dma_start3A_23 = tpu.memref_slice %arg5[%arg0, %mul3A_22, %dma_start3A] : memref<2x10240x128xf32, #tpu.memory_space<hbm>> -> memref<1x640x128xf32, #tpu.memory_space<hbm>>
      %dma_start3A_24 = tpu.memref_squeeze %dma_start3A_23 : memref<1x640x128xf32, #tpu.memory_space<hbm>> -> memref<640x128xf32, #tpu.memory_space<hbm>>
      %dma_start3A_25 = arith.constant 0 : i32
      %dma_start3A_26 = tpu.memref_slice %arg9[%mul3A_20, %dma_start3A_25] : memref<10240x128xf32, #tpu.memory_space<vmem_shared>> -> memref<640x128xf32, #tpu.memory_space<vmem_shared>>
      tpu.enqueue_dma source(%dma_start3A_26 : memref<640x128xf32, #tpu.memory_space<vmem_shared>>) target(%dma_start3A_24 : memref<640x128xf32, #tpu.memory_space<hbm>>) target_semaphore(%run_scoped3A : memref<!tpu.dma_semaphore, #tpu.memory_space<semaphore_mem>>)
      %dma_wait3A = arith.constant 0 : i32
      %dma_wait3A_27 = tpu.memref_slice %arg5[%arg0, %mul3A_22, %dma_wait3A] : memref<2x10240x128xf32, #tpu.memory_space<hbm>> -> memref<1x640x128xf32, #tpu.memory_space<hbm>>
      %dma_wait3A_28 = tpu.memref_squeeze %dma_wait3A_27 : memref<1x640x128xf32, #tpu.memory_space<hbm>> -> memref<640x128xf32, #tpu.memory_space<hbm>>
      %dma_wait3A_29 = arith.constant 0 : i32
      %dma_wait3A_30 = tpu.memref_slice %arg9[%mul3A_20, %dma_wait3A_29] : memref<10240x128xf32, #tpu.memory_space<vmem_shared>> -> memref<640x128xf32, #tpu.memory_space<vmem_shared>>
      tpu.wait_dma2 semaphore(%run_scoped3A : memref<!tpu.dma_semaphore, #tpu.memory_space<semaphore_mem>>) src(%dma_wait3A_30 : memref<640x128xf32, #tpu.memory_space<vmem_shared>>) dst(%dma_wait3A_28 : memref<640x128xf32, #tpu.memory_space<hbm>>)
      tpu.yield
    }) : () -> ()
    return
  }
}

#map = affine_map<(d0, d1) -> (0, 0)>
#map1 = affine_map<(d0, d1) -> (0)>
#map2 = affine_map<(d0, d1) -> (0, 0, 0)>
module attributes {stable_mosaic.version = 14 : i64} {
  func.func @k(%arg0: i32, %arg1: i32, %arg2: memref<10240x128xf32, #tpu.memory_space<hbm>>, %arg3: memref<327680xi32, #tpu.memory_space<hbm>>, %arg4: memref<327680xi32, #tpu.memory_space<hbm>>, %arg5: memref<2x10240x128xf32, #tpu.memory_space<hbm>>, %arg6: memref<256xi32, #tpu.memory_space<vmem>>, %arg7: memref<256xi32, #tpu.memory_space<vmem>>, %arg8: memref<256x128xf32, #tpu.memory_space<vmem>>, %arg9: memref<10240x128xf32, #tpu.memory_space<vmem_shared>>, %arg10: memref<!tpu.dma_semaphore, #tpu.memory_space<semaphore_mem>>) attributes {dimension_semantics = [#tpu.dimension_semantics<core_parallel>, #tpu.dimension_semantics<subcore_parallel>], iteration_bounds = array<i64: 2, 16>, scalar_prefetch = 0 : i64, scratch_operands = 5 : i64, tpu.core_type = #tpu.core_type<sc_vector_subcore>, window_params = [{transform_indices = #map}, {transform_indices = #map1}, {transform_indices = #map1}, {transform_indices = #map2}]} {
    %mul3A = arith.constant 2 : i32
    %mul3A_0 = arith.muli %arg1, %mul3A : i32
    %add3A = arith.addi %mul3A_0, %arg0 : i32
    %broadcast_in_dim3A = arith.constant 0.000000e+00 : f32
    %broadcast_in_dim3A_1 = vector.broadcast %broadcast_in_dim3A : f32 to vector<16xf32>
    %scan3A = arith.constant 0 : i32
    %scan3A_2 = arith.constant 256 : i32
    %scan3A_3 = arith.addi %scan3A, %scan3A_2 : i32
    %scan3A_4 = arith.constant 1 : i32
    scf.for %scan3A_23 = %scan3A to %scan3A_3 step %scan3A_4  : i32 {
      %mul3A_24 = arith.constant 1 : i32
      %mul3A_25 = arith.muli %scan3A_23, %mul3A_24 : i32
      %add3A_26 = arith.constant 0 : i32
      %add3A_27 = arith.addi %add3A_26, %mul3A_25 : i32
      %swap3A = arith.index_cast %add3A_27 : i32 to index
      %swap3A_28 = arith.constant 0 : index
      %swap3A_29 = tpu.vector_load %arg8[%swap3A, %swap3A_28] {strides = array<i32>} : memref<256x128xf32, #tpu.memory_space<vmem>>, vector<1x16xf32>,
      %swap3A_30 = vector.shape_cast %swap3A_29 : vector<1x16xf32> to vector<16xf32>
      %swap3A_31 = vector.shape_cast %broadcast_in_dim3A_1 : vector<16xf32> to vector<1x16xf32>
      tpu.vector_store %arg8[%swap3A, %swap3A_28], %swap3A_31 {strides = array<i32>} : memref<256x128xf32, #tpu.memory_space<vmem>>, vector<1x16xf32>,
      %swap3A_32 = arith.index_cast %add3A_27 : i32 to index
      %swap3A_33 = arith.constant 16 : index
      %swap3A_34 = tpu.vector_load %arg8[%swap3A_32, %swap3A_33] {strides = array<i32>} : memref<256x128xf32, #tpu.memory_space<vmem>>, vector<1x16xf32>,
      %swap3A_35 = vector.shape_cast %swap3A_34 : vector<1x16xf32> to vector<16xf32>
      %swap3A_36 = vector.shape_cast %broadcast_in_dim3A_1 : vector<16xf32> to vector<1x16xf32>
      tpu.vector_store %arg8[%swap3A_32, %swap3A_33], %swap3A_36 {strides = array<i32>} : memref<256x128xf32, #tpu.memory_space<vmem>>, vector<1x16xf32>,
      %swap3A_37 = arith.index_cast %add3A_27 : i32 to index
      %swap3A_38 = arith.constant 32 : index
      %swap3A_39 = tpu.vector_load %arg8[%swap3A_37, %swap3A_38] {strides = array<i32>} : memref<256x128xf32, #tpu.memory_space<vmem>>, vector<1x16xf32>,
      %swap3A_40 = vector.shape_cast %swap3A_39 : vector<1x16xf32> to vector<16xf32>
      %swap3A_41 = vector.shape_cast %broadcast_in_dim3A_1 : vector<16xf32> to vector<1x16xf32>
      tpu.vector_store %arg8[%swap3A_37, %swap3A_38], %swap3A_41 {strides = array<i32>} : memref<256x128xf32, #tpu.memory_space<vmem>>, vector<1x16xf32>,
      %swap3A_42 = arith.index_cast %add3A_27 : i32 to index
      %swap3A_43 = arith.constant 48 : index
      %swap3A_44 = tpu.vector_load %arg8[%swap3A_42, %swap3A_43] {strides = array<i32>} : memref<256x128xf32, #tpu.memory_space<vmem>>, vector<1x16xf32>,
      %swap3A_45 = vector.shape_cast %swap3A_44 : vector<1x16xf32> to vector<16xf32>
      %swap3A_46 = vector.shape_cast %broadcast_in_dim3A_1 : vector<16xf32> to vector<1x16xf32>
      tpu.vector_store %arg8[%swap3A_42, %swap3A_43], %swap3A_46 {strides = array<i32>} : memref<256x128xf32, #tpu.memory_space<vmem>>, vector<1x16xf32>,
      %swap3A_47 = arith.index_cast %add3A_27 : i32 to index
      %swap3A_48 = arith.constant 64 : index
      %swap3A_49 = tpu.vector_load %arg8[%swap3A_47, %swap3A_48] {strides = array<i32>} : memref<256x128xf32, #tpu.memory_space<vmem>>, vector<1x16xf32>,
      %swap3A_50 = vector.shape_cast %swap3A_49 : vector<1x16xf32> to vector<16xf32>
      %swap3A_51 = vector.shape_cast %broadcast_in_dim3A_1 : vector<16xf32> to vector<1x16xf32>
      tpu.vector_store %arg8[%swap3A_47, %swap3A_48], %swap3A_51 {strides = array<i32>} : memref<256x128xf32, #tpu.memory_space<vmem>>, vector<1x16xf32>,
      %swap3A_52 = arith.index_cast %add3A_27 : i32 to index
      %swap3A_53 = arith.constant 80 : index
      %swap3A_54 = tpu.vector_load %arg8[%swap3A_52, %swap3A_53] {strides = array<i32>} : memref<256x128xf32, #tpu.memory_space<vmem>>, vector<1x16xf32>,
      %swap3A_55 = vector.shape_cast %swap3A_54 : vector<1x16xf32> to vector<16xf32>
      %swap3A_56 = vector.shape_cast %broadcast_in_dim3A_1 : vector<16xf32> to vector<1x16xf32>
      tpu.vector_store %arg8[%swap3A_52, %swap3A_53], %swap3A_56 {strides = array<i32>} : memref<256x128xf32, #tpu.memory_space<vmem>>, vector<1x16xf32>,
      %swap3A_57 = arith.index_cast %add3A_27 : i32 to index
      %swap3A_58 = arith.constant 96 : index
      %swap3A_59 = tpu.vector_load %arg8[%swap3A_57, %swap3A_58] {strides = array<i32>} : memref<256x128xf32, #tpu.memory_space<vmem>>, vector<1x16xf32>,
      %swap3A_60 = vector.shape_cast %swap3A_59 : vector<1x16xf32> to vector<16xf32>
      %swap3A_61 = vector.shape_cast %broadcast_in_dim3A_1 : vector<16xf32> to vector<1x16xf32>
      tpu.vector_store %arg8[%swap3A_57, %swap3A_58], %swap3A_61 {strides = array<i32>} : memref<256x128xf32, #tpu.memory_space<vmem>>, vector<1x16xf32>,
      %swap3A_62 = arith.index_cast %add3A_27 : i32 to index
      %swap3A_63 = arith.constant 112 : index
      %swap3A_64 = tpu.vector_load %arg8[%swap3A_62, %swap3A_63] {strides = array<i32>} : memref<256x128xf32, #tpu.memory_space<vmem>>, vector<1x16xf32>,
      %swap3A_65 = vector.shape_cast %swap3A_64 : vector<1x16xf32> to vector<16xf32>
      %swap3A_66 = vector.shape_cast %broadcast_in_dim3A_1 : vector<16xf32> to vector<1x16xf32>
      tpu.vector_store %arg8[%swap3A_62, %swap3A_63], %swap3A_66 {strides = array<i32>} : memref<256x128xf32, #tpu.memory_space<vmem>>, vector<1x16xf32>,
    }
    %scan3A_5 = arith.constant 256 : i32
    %scan3A_6 = arith.constant 0 : i32
    %scan3A_7 = arith.constant 2 : i32
    %scan3A_8 = arith.addi %scan3A_6, %scan3A_7 : i32
    %scan3A_9 = arith.constant 1 : i32
    scf.for %scan3A_23 = %scan3A_6 to %scan3A_8 step %scan3A_9  : i32 {
      %mul3A_24 = arith.constant 1 : i32
      %mul3A_25 = arith.muli %scan3A_23, %mul3A_24 : i32
      %add3A_26 = arith.constant 0 : i32
      %add3A_27 = arith.addi %add3A_26, %mul3A_25 : i32
      %mul3A_28 = arith.constant 640 : i32
      %mul3A_29 = arith.muli %arg1, %mul3A_28 : i32
      %mul3A_30 = arith.constant 256 : i32
      %mul3A_31 = arith.muli %add3A_27, %mul3A_30 : i32
      %add3A_32 = arith.addi %mul3A_29, %mul3A_31 : i32
      "tpu.region"() ({
        %run_scoped3A = tpu.sem_alloc : memref<!tpu.dma_semaphore, #tpu.memory_space<semaphore_mem>>
        %dma_start3A = arith.constant 0 : i32
        %dma_start3A_40 = arith.constant 0 : i32
        %dma_start3A_41 = tpu.memref_slice %arg8[%dma_start3A, %dma_start3A_40] : memref<256x128xf32, #tpu.memory_space<vmem>> -> memref<128x128xf32, #tpu.memory_space<vmem>>
        %dma_start3A_42 = arith.constant 0 : i32
        %dma_start3A_43 = tpu.memref_slice %arg9[%add3A_32, %dma_start3A_42] : memref<10240x128xf32, #tpu.memory_space<vmem_shared>> -> memref<128x128xf32, #tpu.memory_space<vmem_shared>>
        %dma_start3A_44 = arith.constant 0 : i32
        %dma_start3A_45 = tpu.memref_slice %arg9[%add3A_32, %dma_start3A_44] : memref<10240x128xf32, #tpu.memory_space<vmem_shared>> -> memref<128x128xf32, #tpu.memory_space<vmem_shared>>
        %dma_start3A_46 = arith.constant 0 : i32
        %dma_start3A_47 = arith.constant 0 : i32
        %dma_start3A_48 = tpu.memref_slice %arg8[%dma_start3A_46, %dma_start3A_47] : memref<256x128xf32, #tpu.memory_space<vmem>> -> memref<128x128xf32, #tpu.memory_space<vmem>>
        tpu.enqueue_dma source(%dma_start3A_48 : memref<128x128xf32, #tpu.memory_space<vmem>>) target(%dma_start3A_45 : memref<128x128xf32, #tpu.memory_space<vmem_shared>>) target_semaphore(%run_scoped3A : memref<!tpu.dma_semaphore, #tpu.memory_space<semaphore_mem>>)
        %dma_wait3A = arith.constant 0 : i32
        %dma_wait3A_49 = arith.constant 0 : i32
        %dma_wait3A_50 = tpu.memref_slice %arg8[%dma_wait3A, %dma_wait3A_49] : memref<256x128xf32, #tpu.memory_space<vmem>> -> memref<128x128xf32, #tpu.memory_space<vmem>>
        %dma_wait3A_51 = arith.constant 0 : i32
        %dma_wait3A_52 = tpu.memref_slice %arg9[%add3A_32, %dma_wait3A_51] : memref<10240x128xf32, #tpu.memory_space<vmem_shared>> -> memref<128x128xf32, #tpu.memory_space<vmem_shared>>
        %dma_wait3A_53 = arith.constant 0 : i32
        %dma_wait3A_54 = tpu.memref_slice %arg9[%add3A_32, %dma_wait3A_53] : memref<10240x128xf32, #tpu.memory_space<vmem_shared>> -> memref<128x128xf32, #tpu.memory_space<vmem_shared>>
        %dma_wait3A_55 = arith.constant 0 : i32
        %dma_wait3A_56 = arith.constant 0 : i32
        %dma_wait3A_57 = tpu.memref_slice %arg8[%dma_wait3A_55, %dma_wait3A_56] : memref<256x128xf32, #tpu.memory_space<vmem>> -> memref<128x128xf32, #tpu.memory_space<vmem>>
        tpu.wait_dma2 semaphore(%run_scoped3A : memref<!tpu.dma_semaphore, #tpu.memory_space<semaphore_mem>>) src(%dma_wait3A_57 : memref<128x128xf32, #tpu.memory_space<vmem>>) dst(%dma_wait3A_54 : memref<128x128xf32, #tpu.memory_space<vmem_shared>>)
        tpu.yield
      }) : () -> ()
      %mul3A_33 = arith.constant 640 : i32
      %mul3A_34 = arith.muli %arg1, %mul3A_33 : i32
      %mul3A_35 = arith.constant 256 : i32
      %mul3A_36 = arith.muli %add3A_27, %mul3A_35 : i32
      %add3A_37 = arith.addi %mul3A_34, %mul3A_36 : i32
      %add3A_38 = arith.constant 128 : i32
      %add3A_39 = arith.addi %add3A_37, %add3A_38 : i32
      "tpu.region"() ({
        %run_scoped3A = tpu.sem_alloc : memref<!tpu.dma_semaphore, #tpu.memory_space<semaphore_mem>>
        %dma_start3A = arith.constant 128 : i32
        %dma_start3A_40 = arith.constant 0 : i32
        %dma_start3A_41 = tpu.memref_slice %arg8[%dma_start3A, %dma_start3A_40] : memref<256x128xf32, #tpu.memory_space<vmem>> -> memref<128x128xf32, #tpu.memory_space<vmem>>
        %dma_start3A_42 = arith.constant 0 : i32
        %dma_start3A_43 = tpu.memref_slice %arg9[%add3A_39, %dma_start3A_42] : memref<10240x128xf32, #tpu.memory_space<vmem_shared>> -> memref<128x128xf32, #tpu.memory_space<vmem_shared>>
        %dma_start3A_44 = arith.constant 0 : i32
        %dma_start3A_45 = tpu.memref_slice %arg9[%add3A_39, %dma_start3A_44] : memref<10240x128xf32, #tpu.memory_space<vmem_shared>> -> memref<128x128xf32, #tpu.memory_space<vmem_shared>>
        %dma_start3A_46 = arith.constant 128 : i32
        %dma_start3A_47 = arith.constant 0 : i32
        %dma_start3A_48 = tpu.memref_slice %arg8[%dma_start3A_46, %dma_start3A_47] : memref<256x128xf32, #tpu.memory_space<vmem>> -> memref<128x128xf32, #tpu.memory_space<vmem>>
        tpu.enqueue_dma source(%dma_start3A_48 : memref<128x128xf32, #tpu.memory_space<vmem>>) target(%dma_start3A_45 : memref<128x128xf32, #tpu.memory_space<vmem_shared>>) target_semaphore(%run_scoped3A : memref<!tpu.dma_semaphore, #tpu.memory_space<semaphore_mem>>)
        %dma_wait3A = arith.constant 128 : i32
        %dma_wait3A_49 = arith.constant 0 : i32
        %dma_wait3A_50 = tpu.memref_slice %arg8[%dma_wait3A, %dma_wait3A_49] : memref<256x128xf32, #tpu.memory_space<vmem>> -> memref<128x128xf32, #tpu.memory_space<vmem>>
        %dma_wait3A_51 = arith.constant 0 : i32
        %dma_wait3A_52 = tpu.memref_slice %arg9[%add3A_39, %dma_wait3A_51] : memref<10240x128xf32, #tpu.memory_space<vmem_shared>> -> memref<128x128xf32, #tpu.memory_space<vmem_shared>>
        %dma_wait3A_53 = arith.constant 0 : i32
        %dma_wait3A_54 = tpu.memref_slice %arg9[%add3A_39, %dma_wait3A_53] : memref<10240x128xf32, #tpu.memory_space<vmem_shared>> -> memref<128x128xf32, #tpu.memory_space<vmem_shared>>
        %dma_wait3A_55 = arith.constant 128 : i32
        %dma_wait3A_56 = arith.constant 0 : i32
        %dma_wait3A_57 = tpu.memref_slice %arg8[%dma_wait3A_55, %dma_wait3A_56] : memref<256x128xf32, #tpu.memory_space<vmem>> -> memref<128x128xf32, #tpu.memory_space<vmem>>
        tpu.wait_dma2 semaphore(%run_scoped3A : memref<!tpu.dma_semaphore, #tpu.memory_space<semaphore_mem>>) src(%dma_wait3A_57 : memref<128x128xf32, #tpu.memory_space<vmem>>) dst(%dma_wait3A_54 : memref<128x128xf32, #tpu.memory_space<vmem_shared>>)
        tpu.yield
      }) : () -> ()
    }
    %scan3A_10 = arith.constant 2 : i32
    %barrier3A = arith.constant 0 : index
    tpu.barrier barrier_id(%barrier3A)
    %mul3A_11 = arith.constant 10240 : i32
    %mul3A_12 = arith.muli %add3A, %mul3A_11 : i32
    %scan3A_13 = arith.constant 0 : i32
    %scan3A_14 = arith.constant 40 : i32
    %scan3A_15 = arith.addi %scan3A_13, %scan3A_14 : i32
    %scan3A_16 = arith.constant 1 : i32
    scf.for %scan3A_23 = %scan3A_13 to %scan3A_15 step %scan3A_16  : i32 {
      %mul3A_24 = arith.constant 1 : i32
      %mul3A_25 = arith.muli %scan3A_23, %mul3A_24 : i32
      %add3A_26 = arith.constant 0 : i32
      %add3A_27 = arith.addi %add3A_26, %mul3A_25 : i32
      %mul3A_28 = arith.constant 256 : i32
      %mul3A_29 = arith.muli %add3A_27, %mul3A_28 : i32
      %add3A_30 = arith.addi %mul3A_12, %mul3A_29 : i32
      "tpu.region"() ({
        %run_scoped3A = tpu.sem_alloc : memref<!tpu.dma_semaphore, #tpu.memory_space<semaphore_mem>>
        %dma_start3A = tpu.memref_slice %arg3[%add3A_30] : memref<327680xi32, #tpu.memory_space<hbm>> -> memref<256xi32, #tpu.memory_space<hbm>>
        %dma_start3A_34 = tpu.memref_slice %arg3[%add3A_30] : memref<327680xi32, #tpu.memory_space<hbm>> -> memref<256xi32, #tpu.memory_space<hbm>>
        tpu.enqueue_dma source(%dma_start3A_34 : memref<256xi32, #tpu.memory_space<hbm>>) target(%arg6 : memref<256xi32, #tpu.memory_space<vmem>>) target_semaphore(%run_scoped3A : memref<!tpu.dma_semaphore, #tpu.memory_space<semaphore_mem>>)
        %dma_wait3A = tpu.memref_slice %arg3[%add3A_30] : memref<327680xi32, #tpu.memory_space<hbm>> -> memref<256xi32, #tpu.memory_space<hbm>>
        %dma_wait3A_35 = tpu.memref_slice %arg3[%add3A_30] : memref<327680xi32, #tpu.memory_space<hbm>> -> memref<256xi32, #tpu.memory_space<hbm>>
        tpu.wait_dma2 semaphore(%run_scoped3A : memref<!tpu.dma_semaphore, #tpu.memory_space<semaphore_mem>>) src(%dma_wait3A_35 : memref<256xi32, #tpu.memory_space<hbm>>) dst(%arg6 : memref<256xi32, #tpu.memory_space<vmem>>)
        tpu.yield
      }) : () -> ()
      %mul3A_31 = arith.constant 256 : i32
      %mul3A_32 = arith.muli %add3A_27, %mul3A_31 : i32
      %add3A_33 = arith.addi %mul3A_12, %mul3A_32 : i32
      "tpu.region"() ({
        %run_scoped3A = tpu.sem_alloc : memref<!tpu.dma_semaphore, #tpu.memory_space<semaphore_mem>>
        %dma_start3A = tpu.memref_slice %arg4[%add3A_33] : memref<327680xi32, #tpu.memory_space<hbm>> -> memref<256xi32, #tpu.memory_space<hbm>>
        %dma_start3A_34 = tpu.memref_slice %arg4[%add3A_33] : memref<327680xi32, #tpu.memory_space<hbm>> -> memref<256xi32, #tpu.memory_space<hbm>>
        tpu.enqueue_dma source(%dma_start3A_34 : memref<256xi32, #tpu.memory_space<hbm>>) target(%arg7 : memref<256xi32, #tpu.memory_space<vmem>>) target_semaphore(%run_scoped3A : memref<!tpu.dma_semaphore, #tpu.memory_space<semaphore_mem>>)
        %dma_wait3A = tpu.memref_slice %arg4[%add3A_33] : memref<327680xi32, #tpu.memory_space<hbm>> -> memref<256xi32, #tpu.memory_space<hbm>>
        %dma_wait3A_35 = tpu.memref_slice %arg4[%add3A_33] : memref<327680xi32, #tpu.memory_space<hbm>> -> memref<256xi32, #tpu.memory_space<hbm>>
        tpu.wait_dma2 semaphore(%run_scoped3A : memref<!tpu.dma_semaphore, #tpu.memory_space<semaphore_mem>>) src(%dma_wait3A_35 : memref<256xi32, #tpu.memory_space<hbm>>) dst(%arg7 : memref<256xi32, #tpu.memory_space<vmem>>)
        tpu.yield
      }) : () -> ()
      "tpu.region"() ({
        %run_scoped3A = tpu.sem_alloc : memref<!tpu.dma_semaphore, #tpu.memory_space<semaphore_mem>>
        %dma_start3A = arith.constant 0 : i32
        %dma_start3A_34 = arith.constant 0 : i32
        %dma_start3A_35 = tpu.memref_slice %arg2[%dma_start3A, %dma_start3A_34] : memref<10240x128xf32, #tpu.memory_space<hbm>> -> memref<10240x128xf32, #tpu.memory_space<hbm>>
        tpu.enqueue_indirect_dma source(%dma_start3A_35 : memref<10240x128xf32, #tpu.memory_space<hbm>>) target(%arg8 : memref<256x128xf32, #tpu.memory_space<vmem>>) offsets(%arg6 : memref<256xi32, #tpu.memory_space<vmem>>) semaphore(%run_scoped3A : memref<!tpu.dma_semaphore, #tpu.memory_space<semaphore_mem>>)
        %dma_wait3A = arith.constant 0 : i32
        %dma_wait3A_36 = arith.constant 0 : i32
        %dma_wait3A_37 = tpu.memref_slice %arg2[%dma_wait3A, %dma_wait3A_36] : memref<10240x128xf32, #tpu.memory_space<hbm>> -> memref<10240x128xf32, #tpu.memory_space<hbm>>
        tpu.wait_indirect_dma semaphore(%run_scoped3A : memref<!tpu.dma_semaphore, #tpu.memory_space<semaphore_mem>>) src(%dma_wait3A_37 : memref<10240x128xf32, #tpu.memory_space<hbm>>) dst(%arg8 : memref<256x128xf32, #tpu.memory_space<vmem>>)
        tpu.yield
      }) : () -> ()
      "tpu.region"() ({
        %run_scoped3A = tpu.sem_alloc : memref<!tpu.dma_semaphore, #tpu.memory_space<semaphore_mem>>
        %dma_start3A = arith.constant 0 : i32
        %dma_start3A_34 = arith.constant 0 : i32
        %dma_start3A_35 = tpu.memref_slice %arg9[%dma_start3A, %dma_start3A_34] : memref<10240x128xf32, #tpu.memory_space<vmem_shared>> -> memref<10240x128xf32, #tpu.memory_space<vmem_shared>>
        tpu.enqueue_indirect_dma source(%arg8 : memref<256x128xf32, #tpu.memory_space<vmem>>) target(%dma_start3A_35 : memref<10240x128xf32, #tpu.memory_space<vmem_shared>>) offsets(%arg7 : memref<256xi32, #tpu.memory_space<vmem>>) semaphore(%run_scoped3A : memref<!tpu.dma_semaphore, #tpu.memory_space<semaphore_mem>>) {add = true}
        %dma_wait3A = arith.constant 0 : i32
        %dma_wait3A_36 = arith.constant 0 : i32
        %dma_wait3A_37 = tpu.memref_slice %arg9[%dma_wait3A, %dma_wait3A_36] : memref<10240x128xf32, #tpu.memory_space<vmem_shared>> -> memref<10240x128xf32, #tpu.memory_space<vmem_shared>>
        tpu.wait_indirect_dma semaphore(%run_scoped3A : memref<!tpu.dma_semaphore, #tpu.memory_space<semaphore_mem>>) src(%arg8 : memref<256x128xf32, #tpu.memory_space<vmem>>) dst(%dma_wait3A_37 : memref<10240x128xf32, #tpu.memory_space<vmem_shared>>)
        tpu.yield
      }) : () -> ()
    }
    %scan3A_17 = arith.constant 40 : i32
    %barrier3A_18 = arith.constant 0 : index
    tpu.barrier barrier_id(%barrier3A_18)
    %mul3A_19 = arith.constant 640 : i32
    %mul3A_20 = arith.muli %arg1, %mul3A_19 : i32
    %mul3A_21 = arith.constant 640 : i32
    %mul3A_22 = arith.muli %arg1, %mul3A_21 : i32
    "tpu.region"() ({
      %run_scoped3A = tpu.sem_alloc : memref<!tpu.dma_semaphore, #tpu.memory_space<semaphore_mem>>
      %dma_start3A = arith.constant 0 : i32
      %dma_start3A_23 = tpu.memref_slice %arg5[%arg0, %mul3A_22, %dma_start3A] : memref<2x10240x128xf32, #tpu.memory_space<hbm>> -> memref<1x640x128xf32, #tpu.memory_space<hbm>>
      %dma_start3A_24 = tpu.memref_squeeze %dma_start3A_23 : memref<1x640x128xf32, #tpu.memory_space<hbm>> -> memref<640x128xf32, #tpu.memory_space<hbm>>
      %dma_start3A_25 = arith.constant 0 : i32
      %dma_start3A_26 = tpu.memref_slice %arg9[%mul3A_20, %dma_start3A_25] : memref<10240x128xf32, #tpu.memory_space<vmem_shared>> -> memref<640x128xf32, #tpu.memory_space<vmem_shared>>
      tpu.enqueue_dma source(%dma_start3A_26 : memref<640x128xf32, #tpu.memory_space<vmem_shared>>) target(%dma_start3A_24 : memref<640x128xf32, #tpu.memory_space<hbm>>) target_semaphore(%run_scoped3A : memref<!tpu.dma_semaphore, #tpu.memory_space<semaphore_mem>>)
      %dma_wait3A = arith.constant 0 : i32
      %dma_wait3A_27 = tpu.memref_slice %arg5[%arg0, %mul3A_22, %dma_wait3A] : memref<2x10240x128xf32, #tpu.memory_space<hbm>> -> memref<1x640x128xf32, #tpu.memory_space<hbm>>
      %dma_wait3A_28 = tpu.memref_squeeze %dma_wait3A_27 : memref<1x640x128xf32, #tpu.memory_space<hbm>> -> memref<640x128xf32, #tpu.memory_space<hbm>>
      %dma_wait3A_29 = arith.constant 0 : i32
      %dma_wait3A_30 = tpu.memref_slice %arg9[%mul3A_20, %dma_wait3A_29] : memref<10240x128xf32, #tpu.memory_space<vmem_shared>> -> memref<640x128xf32, #tpu.memory_space<vmem_shared>>
      tpu.wait_dma2 semaphore(%run_scoped3A : memref<!tpu.dma_semaphore, #tpu.memory_space<semaphore_mem>>) src(%dma_wait3A_30 : memref<640x128xf32, #tpu.memory_space<vmem_shared>>) dst(%dma_wait3A_28 : memref<640x128xf32, #tpu.memory_space<hbm>>)
      tpu.yield
    }) : () -> ()
    return
  }
}

module attributes {stable_mosaic.version = 14 : i64} {
  func.func @body(%arg0: i32, %arg1: memref<2x512x16xf32, #tpu.memory_space<vmem>>, %arg2: memref<512x128xf32, #tpu.memory_space<vmem>>, %arg3: memref<128x128xf32, #tpu.memory_space<vmem>>, %arg4: memref<512x16xf32, #tpu.memory_space<vmem>>, %arg5: memref<512x128xf32, #tpu.memory_space<vmem>>) attributes {dimension_semantics = [#tpu.dimension_semantics<arbitrary>], iteration_bounds = array<i64: 20>, scalar_prefetch = 0 : i64, scratch_operands = 0 : i64, tpu.core_type = #tpu.core_type<tc>, window_params = [{transform_indices = @transform_0, window_bounds = array<i64: 2, 512, 16>}, {transform_indices = @transform_1, window_bounds = array<i64: 512, 128>}, {pipeline_mode = #tpu.pipeline_mode<synchronous>, transform_indices = @transform_2, window_bounds = array<i64: 128, 128>}, {transform_indices = @transform_3, window_bounds = array<i64: 512, 16>}, {transform_indices = @transform_4, window_bounds = array<i64: 512, 128>}]} {
    %get3A = arith.constant 0 : index
    %get3A_0 = arith.constant 0 : index
    %get3A_1 = arith.constant 0 : index
    %get3A_2 = vector.load %arg1[%get3A, %get3A_0, %get3A_1] : memref<2x512x16xf32, #tpu.memory_space<vmem>>, vector<1x512x16xf32>
    %get3A_3 = vector.shape_cast %get3A_2 : vector<1x512x16xf32> to vector<512x16xf32>
    %get3A_4 = arith.constant 1 : index
    %get3A_5 = arith.constant 0 : index
    %get3A_6 = arith.constant 0 : index
    %get3A_7 = vector.load %arg1[%get3A_4, %get3A_5, %get3A_6] : memref<2x512x16xf32, #tpu.memory_space<vmem>>, vector<1x512x16xf32>
    %get3A_8 = vector.shape_cast %get3A_7 : vector<1x512x16xf32> to vector<512x16xf32>
    %add3A = arith.addf %get3A_3, %get3A_8 : vector<512x16xf32>
    %add3A_9 = arith.constant 1.000000e+00 : f32
    %add3A_10 = vector.broadcast %add3A_9 : f32 to vector<512x16xf32>
    %add3A_11 = arith.addf %add3A, %add3A_10 : vector<512x16xf32>
    %rsqrt3A = math.rsqrt %add3A_11 : vector<512x16xf32>
    %swap3A = arith.constant 0 : index
    %swap3A_12 = arith.constant 0 : index
    %swap3A_13 = vector.load %arg4[%swap3A, %swap3A_12] : memref<512x16xf32, #tpu.memory_space<vmem>>, vector<512x16xf32>
    tpu.vector_store %arg4[%swap3A, %swap3A_12], %rsqrt3A {strides = array<i32>} : memref<512x16xf32, #tpu.memory_space<vmem>>, vector<512x16xf32>,
    %get3A_14 = arith.constant 0 : index
    %get3A_15 = arith.constant 0 : index
    %get3A_16 = vector.load %arg2[%get3A_14, %get3A_15] : memref<512x128xf32, #tpu.memory_space<vmem>>, vector<512x128xf32>
    %get3A_17 = arith.constant 0 : index
    %get3A_18 = arith.constant 0 : index
    %get3A_19 = vector.load %arg3[%get3A_17, %get3A_18] : memref<128x128xf32, #tpu.memory_space<vmem>>, vector<128x128xf32>
    %dot_general3A = arith.constant dense<0.000000e+00> : vector<512x128xf32>
    %dot_general3A_20 = tpu.matmul %get3A_16, %get3A_19, %dot_general3A {dimension_numbers = #tpu.dot_dimension_numbers<[1], [0], [0], [1], [0, 0, 1, 1], [], []>, precision = #tpu.contract_precision<fp32>, transpose_lhs_hint = false} : vector<512x128xf32>, vector<128x128xf32>, vector<512x128xf32> -> vector<512x128xf32>
    %slice3A = vector.extract_strided_slice %rsqrt3A {offsets = [0, 0], sizes = [512, 1], strides = [1, 1]} : vector<512x16xf32> to vector<512x1xf32>
    %mul3A = vector.broadcast %slice3A : vector<512x1xf32> to vector<512x128xf32>
    %mul3A_21 = arith.mulf %dot_general3A_20, %mul3A : vector<512x128xf32>
    %swap3A_22 = arith.constant 0 : index
    %swap3A_23 = arith.constant 0 : index
    %swap3A_24 = vector.load %arg5[%swap3A_22, %swap3A_23] : memref<512x128xf32, #tpu.memory_space<vmem>>, vector<512x128xf32>
    tpu.vector_store %arg5[%swap3A_22, %swap3A_23], %mul3A_21 {strides = array<i32>} : memref<512x128xf32, #tpu.memory_space<vmem>>, vector<512x128xf32>,
    return
  }
  func.func @transform_0(%arg0: i32) -> (i32, i32, i32) {
    %c0_i32 = arith.constant 0 : i32
    %c0_i32_0 = arith.constant 0 : i32
    %c0_i32_1 = arith.constant 0 : i32
    return %c0_i32, %arg0, %c0_i32_0 : i32, i32, i32
  }
  func.func @transform_1(%arg0: i32) -> (i32, i32) {
    %c0_i32 = arith.constant 0 : i32
    %c0_i32_0 = arith.constant 0 : i32
    return %arg0, %c0_i32 : i32, i32
  }
  func.func @transform_2(%arg0: i32) -> (i32, i32) {
    %c0_i32 = arith.constant 0 : i32
    %c0_i32_0 = arith.constant 0 : i32
    %c0_i32_1 = arith.constant 0 : i32
    return %c0_i32, %c0_i32_0 : i32, i32
  }
  func.func @transform_3(%arg0: i32) -> (i32, i32) {
    %c0_i32 = arith.constant 0 : i32
    %c0_i32_0 = arith.constant 0 : i32
    return %arg0, %c0_i32 : i32, i32
  }
  func.func @transform_4(%arg0: i32) -> (i32, i32) {
    %c0_i32 = arith.constant 0 : i32
    %c0_i32_0 = arith.constant 0 : i32
    return %arg0, %c0_i32 : i32, i32
  }
}

module attributes {stable_mosaic.version = 14 : i64} {
  func.func @body(%arg0: i32, %arg1: memref<2x512x128xf32, #tpu.memory_space<vmem>>, %arg2: memref<512x128xf32, #tpu.memory_space<vmem>>, %arg3: memref<512x16xf32, #tpu.memory_space<vmem>>, %arg4: memref<1x128xf32, #tpu.memory_space<vmem>>, %arg5: memref<128x64xf32, #tpu.memory_space<vmem>>, %arg6: memref<512x128xf32, #tpu.memory_space<vmem>>) attributes {dimension_semantics = [#tpu.dimension_semantics<arbitrary>], iteration_bounds = array<i64: 20>, scalar_prefetch = 0 : i64, scratch_operands = 0 : i64, tpu.core_type = #tpu.core_type<tc>, window_params = [{transform_indices = @transform_0, window_bounds = array<i64: 2, 512, 128>}, {transform_indices = @transform_1, window_bounds = array<i64: 512, 128>}, {transform_indices = @transform_2, window_bounds = array<i64: 512, 16>}, {pipeline_mode = #tpu.pipeline_mode<synchronous>, transform_indices = @transform_3, window_bounds = array<i64: 1, 128>}, {pipeline_mode = #tpu.pipeline_mode<synchronous>, transform_indices = @transform_4, window_bounds = array<i64: 128, 64>}, {transform_indices = @transform_5, window_bounds = array<i64: 512, 128>}]} {
    %get3A = arith.constant 0 : index
    %get3A_0 = arith.constant 0 : index
    %get3A_1 = vector.load %arg3[%get3A, %get3A_0] : memref<512x16xf32, #tpu.memory_space<vmem>>, vector<512x1xf32>
    %get3A_2 = arith.constant 0 : index
    %get3A_3 = arith.constant 0 : index
    %get3A_4 = arith.constant 0 : index
    %get3A_5 = vector.load %arg1[%get3A_2, %get3A_3, %get3A_4] : memref<2x512x128xf32, #tpu.memory_space<vmem>>, vector<1x512x128xf32>
    %get3A_6 = vector.shape_cast %get3A_5 : vector<1x512x128xf32> to vector<512x128xf32>
    %get3A_7 = arith.constant 1 : index
    %get3A_8 = arith.constant 0 : index
    %get3A_9 = arith.constant 0 : index
    %get3A_10 = vector.load %arg1[%get3A_7, %get3A_8, %get3A_9] : memref<2x512x128xf32, #tpu.memory_space<vmem>>, vector<1x512x128xf32>
    %get3A_11 = vector.shape_cast %get3A_10 : vector<1x512x128xf32> to vector<512x128xf32>
    %add3A = arith.addf %get3A_6, %get3A_11 : vector<512x128xf32>
    %get3A_12 = arith.constant 0 : index
    %get3A_13 = arith.constant 0 : index
    %get3A_14 = vector.load %arg2[%get3A_12, %get3A_13] : memref<512x128xf32, #tpu.memory_space<vmem>>, vector<512x128xf32>
    %add3A_15 = arith.addf %add3A, %get3A_14 : vector<512x128xf32>
    %mul3A = vector.broadcast %get3A_1 : vector<512x1xf32> to vector<512x128xf32>
    %mul3A_16 = arith.mulf %add3A_15, %mul3A : vector<512x128xf32>
    %get3A_17 = arith.constant 0 : index
    %get3A_18 = arith.constant 0 : index
    %get3A_19 = vector.load %arg4[%get3A_17, %get3A_18] : memref<1x128xf32, #tpu.memory_space<vmem>>, vector<1x128xf32>
    %add3A_20 = vector.broadcast %get3A_19 : vector<1x128xf32> to vector<512x128xf32>
    %add3A_21 = arith.addf %mul3A_16, %add3A_20 : vector<512x128xf32>
    %max3A = arith.constant 0.000000e+00 : f32
    %max3A_22 = vector.broadcast %max3A : f32 to vector<512x128xf32>
    %max3A_23 = arith.maximumf %add3A_21, %max3A_22 : vector<512x128xf32>
    %get3A_24 = arith.constant 0 : index
    %get3A_25 = arith.constant 0 : index
    %get3A_26 = vector.load %arg5[%get3A_24, %get3A_25] : memref<128x64xf32, #tpu.memory_space<vmem>>, vector<128x64xf32>
    %dot_general3A = arith.constant dense<0.000000e+00> : vector<512x64xf32>
    %dot_general3A_27 = tpu.matmul %max3A_23, %get3A_26, %dot_general3A {dimension_numbers = #tpu.dot_dimension_numbers<[1], [0], [0], [1], [0, 0, 1, 1], [], []>, precision = #tpu.contract_precision<fp32>, transpose_lhs_hint = false} : vector<512x128xf32>, vector<128x64xf32>, vector<512x64xf32> -> vector<512x64xf32>
    %mul3A_28 = vector.broadcast %get3A_1 : vector<512x1xf32> to vector<512x64xf32>
    %mul3A_29 = arith.mulf %dot_general3A_27, %mul3A_28 : vector<512x64xf32>
    %swap3A = arith.constant 0 : index
    %swap3A_30 = arith.constant 0 : index
    %swap3A_31 = vector.load %arg6[%swap3A, %swap3A_30] : memref<512x128xf32, #tpu.memory_space<vmem>>, vector<512x64xf32>
    tpu.vector_store %arg6[%swap3A, %swap3A_30], %mul3A_29 {strides = array<i32>} : memref<512x128xf32, #tpu.memory_space<vmem>>, vector<512x64xf32>,
    %broadcast_in_dim3A = arith.constant 0.000000e+00 : f32
    %broadcast_in_dim3A_32 = vector.broadcast %broadcast_in_dim3A : f32 to vector<512x64xf32>
    %swap3A_33 = arith.constant 0 : index
    %swap3A_34 = arith.constant 64 : index
    %swap3A_35 = vector.load %arg6[%swap3A_33, %swap3A_34] : memref<512x128xf32, #tpu.memory_space<vmem>>, vector<512x64xf32>
    tpu.vector_store %arg6[%swap3A_33, %swap3A_34], %broadcast_in_dim3A_32 {strides = array<i32>} : memref<512x128xf32, #tpu.memory_space<vmem>>, vector<512x64xf32>,
    return
  }
  func.func @transform_0(%arg0: i32) -> (i32, i32, i32) {
    %c0_i32 = arith.constant 0 : i32
    %c0_i32_0 = arith.constant 0 : i32
    %c0_i32_1 = arith.constant 0 : i32
    return %c0_i32, %arg0, %c0_i32_0 : i32, i32, i32
  }
  func.func @transform_1(%arg0: i32) -> (i32, i32) {
    %c0_i32 = arith.constant 0 : i32
    %c0_i32_0 = arith.constant 0 : i32
    return %arg0, %c0_i32 : i32, i32
  }
  func.func @transform_2(%arg0: i32) -> (i32, i32) {
    %c0_i32 = arith.constant 0 : i32
    %c0_i32_0 = arith.constant 0 : i32
    return %arg0, %c0_i32 : i32, i32
  }
  func.func @transform_3(%arg0: i32) -> (i32, i32) {
    %c0_i32 = arith.constant 0 : i32
    %c0_i32_0 = arith.constant 0 : i32
    %c0_i32_1 = arith.constant 0 : i32
    return %c0_i32, %c0_i32_0 : i32, i32
  }
  func.func @transform_4(%arg0: i32) -> (i32, i32) {
    %c0_i32 = arith.constant 0 : i32
    %c0_i32_0 = arith.constant 0 : i32
    %c0_i32_1 = arith.constant 0 : i32
    return %c0_i32, %c0_i32_0 : i32, i32
  }
  func.func @transform_5(%arg0: i32) -> (i32, i32) {
    %c0_i32 = arith.constant 0 : i32
    %c0_i32_0 = arith.constant 0 : i32
    return %arg0, %c0_i32 : i32, i32
  }
}

module attributes {stable_mosaic.version = 14 : i64} {
  func.func @body(%arg0: i32, %arg1: memref<2x512x128xf32, #tpu.memory_space<vmem>>, %arg2: memref<512x128xf32, #tpu.memory_space<vmem>>, %arg3: memref<512x16xf32, #tpu.memory_space<vmem>>, %arg4: memref<1x128xf32, #tpu.memory_space<vmem>>, %arg5: memref<512x128xf32, #tpu.memory_space<vmem>>) attributes {dimension_semantics = [#tpu.dimension_semantics<arbitrary>], iteration_bounds = array<i64: 20>, scalar_prefetch = 0 : i64, scratch_operands = 0 : i64, tpu.core_type = #tpu.core_type<tc>, window_params = [{transform_indices = @transform_0, window_bounds = array<i64: 2, 512, 128>}, {transform_indices = @transform_1, window_bounds = array<i64: 512, 128>}, {transform_indices = @transform_2, window_bounds = array<i64: 512, 16>}, {pipeline_mode = #tpu.pipeline_mode<synchronous>, transform_indices = @transform_3, window_bounds = array<i64: 1, 128>}, {transform_indices = @transform_4, window_bounds = array<i64: 512, 128>}]} {
    %get3A = arith.constant 0 : index
    %get3A_0 = arith.constant 0 : index
    %get3A_1 = vector.load %arg3[%get3A, %get3A_0] : memref<512x16xf32, #tpu.memory_space<vmem>>, vector<512x1xf32>
    %get3A_2 = arith.constant 0 : index
    %get3A_3 = arith.constant 0 : index
    %get3A_4 = arith.constant 0 : index
    %get3A_5 = vector.load %arg1[%get3A_2, %get3A_3, %get3A_4] : memref<2x512x128xf32, #tpu.memory_space<vmem>>, vector<1x512x128xf32>
    %get3A_6 = vector.shape_cast %get3A_5 : vector<1x512x128xf32> to vector<512x128xf32>
    %get3A_7 = arith.constant 1 : index
    %get3A_8 = arith.constant 0 : index
    %get3A_9 = arith.constant 0 : index
    %get3A_10 = vector.load %arg1[%get3A_7, %get3A_8, %get3A_9] : memref<2x512x128xf32, #tpu.memory_space<vmem>>, vector<1x512x128xf32>
    %get3A_11 = vector.shape_cast %get3A_10 : vector<1x512x128xf32> to vector<512x128xf32>
    %add3A = arith.addf %get3A_6, %get3A_11 : vector<512x128xf32>
    %get3A_12 = arith.constant 0 : index
    %get3A_13 = arith.constant 0 : index
    %get3A_14 = vector.load %arg2[%get3A_12, %get3A_13] : memref<512x128xf32, #tpu.memory_space<vmem>>, vector<512x128xf32>
    %add3A_15 = arith.addf %add3A, %get3A_14 : vector<512x128xf32>
    %mul3A = vector.broadcast %get3A_1 : vector<512x1xf32> to vector<512x128xf32>
    %mul3A_16 = arith.mulf %add3A_15, %mul3A : vector<512x128xf32>
    %get3A_17 = arith.constant 0 : index
    %get3A_18 = arith.constant 0 : index
    %get3A_19 = vector.load %arg4[%get3A_17, %get3A_18] : memref<1x128xf32, #tpu.memory_space<vmem>>, vector<1x128xf32>
    %add3A_20 = vector.broadcast %get3A_19 : vector<1x128xf32> to vector<512x128xf32>
    %add3A_21 = arith.addf %mul3A_16, %add3A_20 : vector<512x128xf32>
    %swap3A = arith.constant 0 : index
    %swap3A_22 = arith.constant 0 : index
    %swap3A_23 = vector.load %arg5[%swap3A, %swap3A_22] : memref<512x128xf32, #tpu.memory_space<vmem>>, vector<512x128xf32>
    tpu.vector_store %arg5[%swap3A, %swap3A_22], %add3A_21 {strides = array<i32>} : memref<512x128xf32, #tpu.memory_space<vmem>>, vector<512x128xf32>,
    return
  }
  func.func @transform_0(%arg0: i32) -> (i32, i32, i32) {
    %c0_i32 = arith.constant 0 : i32
    %c0_i32_0 = arith.constant 0 : i32
    %c0_i32_1 = arith.constant 0 : i32
    return %c0_i32, %arg0, %c0_i32_0 : i32, i32, i32
  }
  func.func @transform_1(%arg0: i32) -> (i32, i32) {
    %c0_i32 = arith.constant 0 : i32
    %c0_i32_0 = arith.constant 0 : i32
    return %arg0, %c0_i32 : i32, i32
  }
  func.func @transform_2(%arg0: i32) -> (i32, i32) {
    %c0_i32 = arith.constant 0 : i32
    %c0_i32_0 = arith.constant 0 : i32
    return %arg0, %c0_i32 : i32, i32
  }
  func.func @transform_3(%arg0: i32) -> (i32, i32) {
    %c0_i32 = arith.constant 0 : i32
    %c0_i32_0 = arith.constant 0 : i32
    %c0_i32_1 = arith.constant 0 : i32
    return %c0_i32, %c0_i32_0 : i32, i32
  }
  func.func @transform_4(%arg0: i32) -> (i32, i32) {
    %c0_i32 = arith.constant 0 : i32
    %c0_i32_0 = arith.constant 0 : i32
    return %arg0, %c0_i32 : i32, i32
  }
}

module attributes {stable_mosaic.version = 14 : i64} {
  func.func @body(%arg0: i32, %arg1: memref<1024x128xf32, #tpu.memory_space<vmem>>, %arg2: memref<1024x128xf32, #tpu.memory_space<vmem>>, %arg3: memref<8x128xf32, #tpu.memory_space<vmem>>) attributes {dimension_semantics = [#tpu.dimension_semantics<arbitrary>], iteration_bounds = array<i64: 224>, scalar_prefetch = 0 : i64, scratch_operands = 0 : i64, tpu.core_type = #tpu.core_type<tc>, window_params = [{transform_indices = @transform_0, window_bounds = array<i64: 1024, 128>}, {transform_indices = @transform_1, window_bounds = array<i64: 1024, 128>}, {transform_indices = @transform_2, window_bounds = array<i64: 8, 128>}]} {
    %get3A = arith.constant 0 : index
    %get3A_0 = arith.constant 0 : index
    %get3A_1 = vector.load %arg1[%get3A, %get3A_0] : memref<1024x128xf32, #tpu.memory_space<vmem>>, vector<1024x128xf32>
    %get3A_2 = arith.constant 0 : index
    %get3A_3 = arith.constant 0 : index
    %get3A_4 = vector.load %arg2[%get3A_2, %get3A_3] : memref<1024x128xf32, #tpu.memory_space<vmem>>, vector<1024x128xf32>
    %mul3A = arith.mulf %get3A_1, %get3A_4 : vector<1024x128xf32>
    %reduce_sum3A = arith.constant dense<0.000000e+00> : vector<1024xf32>
    %reduce_sum3A_5 = vector.multi_reduction <add>, %mul3A, %reduce_sum3A [1] : vector<1024x128xf32> to vector<1024xf32>
    %reshape3A = vector.shape_cast %reduce_sum3A_5 : vector<1024xf32> to vector<8x128xf32>
    %swap3A = arith.constant 0 : index
    %swap3A_6 = arith.constant 0 : index
    %swap3A_7 = vector.load %arg3[%swap3A, %swap3A_6] : memref<8x128xf32, #tpu.memory_space<vmem>>, vector<8x128xf32>
    tpu.vector_store %arg3[%swap3A, %swap3A_6], %reshape3A {strides = array<i32>} : memref<8x128xf32, #tpu.memory_space<vmem>>, vector<8x128xf32>,
    return
  }
  func.func @transform_0(%arg0: i32) -> (i32, i32) {
    %c0_i32 = arith.constant 0 : i32
    %c0_i32_0 = arith.constant 0 : i32
    return %arg0, %c0_i32 : i32, i32
  }
  func.func @transform_1(%arg0: i32) -> (i32, i32) {
    %c0_i32 = arith.constant 0 : i32
    %c0_i32_0 = arith.constant 0 : i32
    return %arg0, %c0_i32 : i32, i32
  }
  func.func @transform_2(%arg0: i32) -> (i32, i32) {
    %c0_i32 = arith.constant 0 : i32
    %c0_i32_0 = arith.constant 0 : i32
    return %arg0, %c0_i32 : i32, i32
  }
}

</mosaic_0001>

<sc_bundles>
// kernel: kernel.10.cloned.1.call-start
scs
__scs_entry_jumppad:
0x0: {  	(pc) =	sbr.rel $0x88, $3  }
0x1: {  	(tag) =	ssettag $0x0;
	lr =	simm.s32 $0x1  }
0x2: {  	[smem:$0x3F9A] =	sst lr;
	_ =	strace $0xD0000000  }
0x3: {  	_ = 	snop  }
0x4: {  	_ = 	snop  }
0x5: {  	_ = 	snop  }
0x6: {  	_ = 	snop  }
0x7: {  	_ = 	snop  }
__scs_overlays_trampoline_lowered:
0x8: {  	[smem:$0x3FA9] =	sst s0  }
0x9: {  	[smem:$0x3FAA] =	sst s1  }
0xa: {  	[smem:$0x3FAB] =	sst s2  }
0xb: {  	[smem:$0x3FAC] =	sst s3  }
0xc: {  	[smem:$0x3FAD] =	sst s4  }
0xd: {  	[smem:$0x3FAE] =	sst s5  }
0xe: {  	[smem:$0x3FAF] =	sst s6  }
0xf: {  	[smem:$0x3FB0] =	sst s7  }
0x10: {  	[smem:$0x3FB1] =	sst s8  }
0x11: {  	[smem:$0x3FB2] =	sst s9;
	s0 =	simm.s32 @!p0 $0x0  }
0x12: {  	s1 =	sld [smem:$0x3F98];
	s0 =	simm.s32 @p0 $0x1  }
0x13: {  	[smem:$0x3FB3] =	sst s0;
	s0 =	simm.s32 @!p1 $0x0  }
0x14: {  	s2 =	sld [smem:$0x3F97];
	s0 =	simm.s32 @p1 $0x1  }
0x15: {  	[smem:$0x3FB4] =	sst s0;
	s0 =	simm.s32 @!p2 $0x0  }
0x16: {  	s3 =	sld [smem:$0x3FDB];
	s0 =	simm.s32 @p2 $0x1  }
0x17: {  	s4 =	simm.s32 $0x1BF5;
	[smem:$0x3FB6] =	sst s0  }
0x18: {  	s0 =	sld [smem:$0x3F99];
	_ =	swait.ge [sflag:s4], $0x0  }
0x19: {  	s7 =	sld [smem:$0x3F9A]  }
0x1a: {  	s8 =	sadd.s32 $0xFFFFE003, lr  }
0x1b: {  	s9 =	sadd.s32 $0xFFFFFEF7, lr;
	s5 =	simm.s32 $0xFFFFFFFF;
	p2 =	slt.u32 s8, $0xFFFFF086  }
0x1c: {  	p1 =	slt.u32 s9, $0xF7A;
	s5 =	simm.s32 @!p2 $0x0  }
0x1d: {  	s5 =	simm.s32 @p1 $0x1;
	p0 =	seq.s32 s7, s2  }
0x1e: {  	s7 =	smul.u32 @!p0 $0xF7A, s2;
	p2 =	seq.s32 @!p0 s5, $0x0  }
0x1f: {  	s9 =	smul.u32 $0xF7A, s1;
	s8 =	simm.s32 @!p0 $0x1BF5;
	p2 =	por !p2, p0  }
0x20: {  	[sflag:s8] =	ssyncset.s32 @!p0 $0xFFFFF086;
	s6 =	sadd.s32 @!p0 s3, s7;
	s7 =	simm.s32 @!p0 $0x108  }
0x21: {  	s3 =	sadd.s32 s3, s9;
	s6 =	sadd.s32 @!p0 $0x88, s6;
	s7 =	simm.s32 @p2 $0x1082  }
0x22: {  	[simem:s7], [sflag:s8] =	dma.local @!p0 [hbm:s6], $0xF7A  }
0x23: {  	s9 =	sor.u32 $0xD0000000, s2;
	s6 =	simm.s32 $0x108;
	_ =	swait.ge @!p0 [sflag:s8], $0x0  }
0x24: {  	s3 =	sadd.s32 $0x88, s3;
	s6 =	simm.s32 @!p1 $0x1082;
	[sflag:s4] =	ssyncset.s32 $0xFFFFF086  }
0x25: {  	[simem:s6], [sflag:s4] =	dma.local [hbm:s3], $0xF7A  }
0x26: {  	[smem:$0x3F9A] =	sst s1;
	(tag) =	ssettag s2;
	_ =	strace s9  }
0x27: {  	s1 =	sld [smem:$0x3FAA]  }
0x28: {  	s2 =	sld [smem:$0x3FAB]  }
0x29: {  	s4 =	sld [smem:$0x3FAD]  }
0x2a: {  	p0 =	seq.s32 s5, $0x0;
	s5 =	sld [smem:$0x3FAE]  }
0x2b: {  	s6 =	sld [smem:$0x3FAF]  }
0x2c: {  	s7 =	sld [smem:$0x3FB0]  }
0x2d: {  	s3 =	simm.s32 $0x108;
	s8 =	sld [smem:$0x3FB1]  }
0x2e: {  	s3 =	simm.s32 @!p0 $0x1082;
	s9 =	sld [smem:$0x3FB2]  }
0x2f: {  	lr =	sadd.s32 s0, s3;
	s0 =	sld [smem:$0x3FA9]  }
0x30: {  	s3 =	sld [smem:$0x3FAC]  }
0x31: {  	[smem:$0x3FB5] =	sst s10  }
0x32: {  	s10 =	sld [smem:$0x3FB3];
	_ =	sdelay $0x3  }
0x33: {  	p0 =	seq.s32 s10, $0x1;
	s10 =	sld [smem:$0x3FB5];
	_ =	sdelay $0x3  }
0x34: {  	[smem:$0x3FB5] =	sst s10  }
0x35: {  	s10 =	sld [smem:$0x3FB4];
	_ =	sdelay $0x3  }
0x36: {  	p1 =	seq.s32 s10, $0x1;
	s10 =	sld [smem:$0x3FB5];
	_ =	sdelay $0x3  }
0x37: {  	[smem:$0x3FB5] =	sst s10  }
0x38: {  	s10 =	sld [smem:$0x3FB6]  }
0x39: {  	_ = 	snop;
	(pc) =	sbr.ind lr, $3  }
0x3a: {  	_ = 	snop  }
0x3b: {  	_ = 	snop  }
0x3c: {  	p2 =	seq.s32 s10, $0x1;
	s10 =	sld [smem:$0x3FB5]  }
0x3d: {  	_ =	shalt  }
0x3e: {  	_ =	shalt  }
0x3f: {  	_ =	shalt  }
0x40: {  	_ =	shalt  }
0x41: {  	_ =	shalt  }
0x42: {  	_ =	shalt  }
0x43: {  	_ =	shalt  }
0x44: {  	_ =	shalt  }
0x45: {  	_ =	shalt  }
0x46: {  	_ =	shalt  }
0x47: {  	_ =	shalt  }
0x48: {  	_ =	shalt  }
0x49: {  	_ =	shalt  }
0x4a: {  	_ =	shalt  }
0x4b: {  	_ =	shalt  }
0x4c: {  	_ =	shalt  }
0x4d: {  	_ =	shalt  }
0x4e: {  	_ =	shalt  }
0x4f: {  	_ =	shalt  }
0x50: {  	_ =	shalt  }
0x51: {  	_ =	shalt  }
0x52: {  	_ =	shalt  }
0x53: {  	_ =	shalt  }
0x54: {  	_ =	shalt  }
0x55: {  	_ =	shalt  }
0x56: {  	_ =	shalt  }
0x57: {  	_ =	shalt  }
0x58: {  	_ =	shalt  }
0x59: {  	_ =	shalt  }
0x5a: {  	_ =	shalt  }
0x5b: {  	_ =	shalt  }
0x5c: {  	_ =	shalt  }
0x5d: {  	_ =	shalt  }
0x5e: {  	_ =	shalt  }
0x5f: {  	_ =	shalt  }
0x60: {  	_ =	shalt  }
0x61: {  	_ =	shalt  }
0x62: {  	_ =	shalt  }
0x63: {  	_ =	shalt  }
0x64: {  	_ =	shalt  }
0x65: {  	_ =	shalt  }
0x66: {  	_ =	shalt  }
0x67: {  	_ =	shalt  }
0x68: {  	_ =	shalt  }
0x69: {  	_ =	shalt  }
0x6a: {  	_ =	shalt  }
0x6b: {  	_ =	shalt  }
0x6c: {  	_ =	shalt  }
0x6d: {  	_ =	shalt  }
0x6e: {  	_ =	shalt  }
0x6f: {  	_ =	shalt  }
0x70: {  	_ =	shalt  }
0x71: {  	_ =	shalt  }
0x72: {  	_ =	shalt  }
0x73: {  	_ =	shalt  }
0x74: {  	_ =	shalt  }
0x75: {  	_ =	shalt  }
0x76: {  	_ =	shalt  }
0x77: {  	_ =	shalt  }
0x78: {  	_ =	shalt  }
0x79: {  	_ =	shalt  }
0x7a: {  	_ =	shalt  }
0x7b: {  	_ =	shalt  }
0x7c: {  	_ =	shalt  }
0x7d: {  	_ =	shalt  }
0x7e: {  	_ =	shalt  }
0x7f: {  	_ =	shalt  }
0x80: {  	_ =	shalt  }
0x81: {  	_ =	shalt  }
0x82: {  	_ =	shalt  }
0x83: {  	_ =	shalt  }
0x84: {  	_ =	shalt  }
0x85: {  	_ =	shalt  }
0x86: {  	_ =	shalt  }
0x87: {  	_ =	shalt  }
.Lfunc_end0:
.L_simem_size_0:
called_computation_lowered:
.L_overlay_start_0:
0x88: {  	s2 =	sld [smem:$0x3FD9]  }
0x89: {  	s3 =	sld [smem:$0x3FFE];
	_ =	sdelay $0x1  }
0x8a: {  	s1 =	srdreg.scid  }
0x8b: {  	s0 =	sand.u32 $0x1, s1  }
0x8c: {  	s16 =	sshll.u32 s0, $0xA;
	s2 =	sadd.s32 s3, s2  }
0x8d: {  	s2 =	sadd.s32 s2, s16  }
0x8e: {  	[smem:$0x3FC1] =	sst s2  }
0x8f: {  	_ = 	snop  }
0x90: {  	(tm) =	ssettm $0x1  }
0x91: {  	s17 =	sld [smem:$0x3FFB];
	_ =	sdelay $0x3  }
0x92: {  	_ =	strace s17  }
0x93: {  	s2 =	sld [smem:$0x3FFC];
	_ =	sdelay $0x3  }
0x94: {  	_ =	strace s2  }
0x95: {  	s2 =	sld [smem:$0x3FFD];
	_ =	sdelay $0x3  }
0x96: {  	_ =	strace s2  }
0x97: {  	_ =	strace $0x8FFFFFFF  }
0x98: {  	s18 =	sld [smem:$0x3FDB];
	_ =	sdelay $0x1  }
0x99: {  	s19 =	simm.s32 $_scs_section_size  }
0x9a: {  	s4 =	simm.s32 $_size__tile_overlayer_lowered;
	s5 =	simm.s32 $_tile_overlayer_lowered  }
0x9b: {  	s22 =	simm.s32 $0x1BFF;
	s21 =	sshll.u32 s5, $0x1;
	s2 =	sadd.s32 s19, s18  }
0x9c: {  	s6 =	simm.s32 $0x0;
	s20 =	sshll.u32 s4, $0x1;
	s4 =	sadd.s32 s21, s2  }
0x9d: {  	[timem:s6], [sflag:s22] =	dma.local [hbm:s4], s20  }
0x9e: {  	_ =	swait.ge [sflag:s22], s20  }
0x9f: {  	s3 =	ssub.s32 $0x0, s20;
	[sflag:s22] =	ssyncset.done $0x0  }
0xa0: {  	[sflag:s22] =	ssyncadd.s32 s3;
	_ =	sdelay $0x1  }
0xa1: {  	s23 =	simm.s32 $0x1B8B  }
0xa2: {  	_ =	swait.ge [sflag:s23], $0x1  }
0xa3: {  	[sflag:s23] =	ssyncset.done $0x0  }
0xa4: {  	s25 =	simm.s32 $0x1B8E;
	s24 =	sld [smem:$0x3FFE];
	[sflag:s23] =	ssyncadd.s32 $0xFFFFFFFF  }
0xa5: {  	s26 =	simm.s32 $execute0_lowered;
	[smem:$0x3FD2] =	sst s25  }
0xa6: {  	s4 =	sshll.u32 s26, $0x1;
	_ =	strace $0x80000046;
	[dreg:$0x1] =	wrdreg $0xFFFFFFFF  }
0xa7: {  	s28 =	simm.s32 $_size_execute0_lowered;
	s2 =	sadd.s32 s2, s4;
	[dreg:$0x0] =	wrdreg $0x0  }
0xa8: {  	s4 =	sshll.u32 s28, $0x1;
	[dreg:$0x2] =	wrdreg s2  }
0xa9: {  	[dreg:$0x3] =	wrdreg s4  }
0xaa: {  	[dreg:$0x4] =	wrdreg $0xC0  }
0xab: {  	_ =	task [dreg:s6], $0x5FFFF  }
0xac: {  	[dreg:$0x1] =	wrdreg $0xFFFFFFFF  }
0xad: {  	[dreg:$0x0] =	wrdreg $0x60  }
0xae: {  	[dreg:$0x2] =	wrdreg s24  }
0xaf: {  	[dreg:$0x3] =	wrdreg $0xA8000  }
0xb0: {  	[dreg:$0x4] =	wrdreg $0x9  }
0xb1: {  	_ =	task.clear_ibuf [dreg:s6], $0x5FFFF;
	_ =	strace $0x90000046  }
0xb2: {  	s29 =	simm.s32 $0x9;
	_ =	strace $0x80000048  }
0xb3: {  	_ =	swait.ge [sflag:s29], $0x1  }
0xb4: {  	[sflag:s29] =	ssyncadd.s32 $0xFFFFFFFF  }
0xb5: {  	_ =	strace $0x90000048  }
0xb6: {  	_ =	sfence  }
0xb7: {  	s30 =	sld [smem:$0x0];
	_ =	sdelay $0x2  }
0xb8: {  	s31 =	sshll.u32 s1, $0xD;
	s1 =	sshrl.u32 s1, $0x2  }
0xb9: {  	s3 =	sand.u32 $0x4000, s31;
	s1 =	sadd.s32 s1, s30  }
0xba: {  	s0 =	sor.u32 s3, s0;
	s1 =	sshll.u32 s1, $0x11  }
0xbb: {  	s0 =	sor.u32 s1, s0  }
0xbc: {  	s0 =	sadd.s32 $0x8F2B, s0  }
0xbd: {  	[sflag:s0] =	ssyncadd.remote.s32 $0x1  }
0xbe: {  	_ =	sfence.sel $0xFFFF  }
0xbf: {  	[dreg:$0x0] =	wrdreg $0xFFFFFFFF;
	(pc) =	sbr.abs _section_cstart, $3  }
0xc0: {  	[dreg:$0x1] =	wrdreg $0xFFFFFFFF  }
0xc1: {  	_ =	task.clear_ibuf [dreg:s6], $0x2FFFF;
	_ =	strace $0x9FFFFFFF  }
0xc2: {  	(tm) =	ssettm $0x7FFFFFFF  }
0xc3: {  	_ =	shalt  }
tec
execute0_lowered:
.L_overlay_start_1:
0x0: {  	(tag) =	ssettag $0x1  }
0x1: {  	s4 =	rddreg [dreg:$0x0]  }
0x2: {  	s2 =	rddreg [dreg:$0x1];
	s3 =	srdreg.scid  }
0x3: {  	s0 =	rddreg [dreg:$0x2];
	s1 =	stileid.u32  }
0x4: {  	s12 =	simm.s32 $0x6800;
	s13 =	simm.s32 $0x1;
	s14 =	simm.s32 $0x80  }
0x5: {  	s15 =	simm.s32 $0x2800;
	s5 =	sand.u32 $0x1, s3;
	s8 =	smul.u32 $0x14000, s1  }
0x6: {  	s3 =	simm.s32 $0x0;
	s6 =	sshll.u32 s1, $0x1;
	s30 =	smul.u32 $0x50000, s1  }
0x7: {  	s16 =	sshll.u32 s1, $0x6;
	s7 =	smul.u32 $0x140000, s5;
	[smem:$0x7FF] =	sst s3  }
0x8: {  	s6 =	sor.u32 s5, s6;
	s5 =	ssub.s32 $0x2, s5;
	s16 =	sor.u32 $0x1C01, s16  }
0x9: {  	_ =	strace $0x80000047;
	s6 =	smul.u32 $0x500, s6;
	s7 =	sadd.s32 s8, s7  }
0xa: {  	s9 =	sshrl.u32 s5, $0x1;
	s31 =	sshrl.u32 s30, $0x2;
	s7 =	sshrl.u32 s7, $0x3  }
0xb: {  	s9 =	ssub.s32 s5, s9;
	s6 =	sadd.s32 s6, s4;
	s7 =	sadd.s32 s7, s4  }
0xc: {  	s4 =	sadd.s32 s31, s2;
	s5 =	sadd.s32 $0x2600, s6;
	s6 =	sadd.s32 $0xC600, s7  }
0xd: {  	s7 =	smax.u32 s9, $0x1;
	s8 =	sadd.s32 $0x4000, s4;
	s9 =	sadd.s32 $0x8000, s4  }
0xe: {  	v0 =	vimm.f32 $1.000000000e+00;
	v1 =	vimm.f32 $0.0e+00;
	s10 =	sadd.s32 $0xC000, s4;
	s11 =	sadd.s32 $0x10000, s4;
	s17 =	sshrl.u32 s4, $0x3  }
.LBB2_1:
0xf: {  	s18 =	simm.s32 $0x200;
	s19 =	simm.s32 $0x0  }
.LBB2_2:
0x10: {  	p0 =	sne.s32 s18, $0xFE00;
	[tilespmem:s19+$0x2800] =	vst v0;
	s20 =	smov.u32 s18;
	s18 =	sadd.s32 $0x200, s18  }
.Ltmp0:
0x11: {  	[tilespmem:s19+$0x6800] =	vst v1;
	(pc) =	sbr.rel @p0 .LBB2_2-.Ltmp0, $2  }
0x12: {  	_ =	sdelay $0x2  }
0x13: {  	s19 =	sshra.s32 s20, $0x2  }
0x14: {  	[tilespmem:s19+$0x2800] =	vst v0  }
0x15: {  	[tilespmem:s19+$0x6800] =	vst v1  }
0x16: {  	[spmem:s4] =	stream.linear.scatter [tilespmem:s12], [sflag:$0x1], $0x4000, $0x38;
	[tilespmem:$0xD000] =	vst v63  }
0x17: {  	_ =	swait.ge [sflag:s13], $0x4000  }
0x18: {  	[sflag:s13] =	ssyncset.done $0x0  }
0x19: {  	[sflag:s13] =	ssyncadd.s32 $0xFFFFC000  }
0x1a: {  	[spmem:s8] =	stream.linear.scatter [tilespmem:s12], [sflag:$0x1], $0x4000, $0x38;
	[tilespmem:$0xD000] =	vst v63  }
0x1b: {  	_ =	swait.ge [sflag:s13], $0x4000  }
0x1c: {  	[sflag:s13] =	ssyncset.done $0x0  }
0x1d: {  	[sflag:s13] =	ssyncadd.s32 $0xFFFFC000  }
0x1e: {  	[spmem:s9] =	stream.linear.scatter [tilespmem:s12], [sflag:$0x1], $0x4000, $0x38;
	[tilespmem:$0xD000] =	vst v63  }
0x1f: {  	_ =	swait.ge [sflag:s13], $0x4000  }
0x20: {  	[sflag:s13] =	ssyncset.done $0x0  }
0x21: {  	[sflag:s13] =	ssyncadd.s32 $0xFFFFC000  }
0x22: {  	[spmem:s10] =	stream.linear.scatter [tilespmem:s12], [sflag:$0x1], $0x4000, $0x38;
	[tilespmem:$0xD000] =	vst v63  }
0x23: {  	_ =	swait.ge [sflag:s13], $0x4000  }
0x24: {  	[sflag:s13] =	ssyncset.done $0x0  }
0x25: {  	[sflag:s13] =	ssyncadd.s32 $0xFFFFC000  }
0x26: {  	[spmem:s11] =	stream.linear.scatter [tilespmem:s12], [sflag:$0x1], $0x4000, $0x38;
	[tilespmem:$0xD000] =	vst v63  }
0x27: {  	_ =	swait.ge [sflag:s13], $0x4000  }
0x28: {  	[sflag:s13] =	ssyncset.done $0x0  }
0x29: {  	[sflag:s13] =	ssyncadd.s32 $0xFFFFC000  }
0x2a: {  	s18 =	simm.s32 $0x0;
	[bflag:$0x0] =	sbarrier.arrive $0xFFFF  }
0x2b: {  	[tilespmem:s18], [sflag:$0x1] =	stream.linear.gather [hbm4b:s5+s18], $0x2800, $0x38;
	[tilespmem:$0xD000] =	vst v63  }
0x2c: {  	_ =	swait.ge [sflag:s13], $0x2800  }
0x2d: {  	[sflag:s13] =	ssyncset.done $0x0  }
0x2e: {  	s31 =	simm.s32 $0x0;
	[sflag:s13] =	ssyncadd.s32 $0xFFFFD800  }
0x2f: {  	[spmem:s2] =	stream.indirect.scatter.add.f32 [tilespmem:s15], [sflag:$0x1], $0x10, s31, s14, $0xb8;
	[tilespmem:$0xD000] =	vst v63  }
0x30: {  	_ =	swait.ge [sflag:s13], $0x800  }
0x31: {  	s18 =	simm.s32 $0x200;
	[sflag:s13] =	ssyncset.done $0x0  }
.LBB2_4:
0x32: {  	s19 =	sshra.s32 s18, $0x2;
	[sflag:s13] =	ssyncadd.s32 $0xFFFFF800;
	p0 =	sne.s32 s18, $0x9E00  }
0x33: {  	[spmem:s2] =	stream.indirect.scatter.add.f32 [tilespmem:s15], [sflag:$0x1], $0x10, s19, s14, $0xb8;
	[tilespmem:$0xD000] =	vst v63  }
.Ltmp1:
0x34: {  	_ = 	snop;
	(pc) =	sbr.rel @p0 .LBB2_4-.Ltmp1, $4  }
0x35: {  	_ = 	snop  }
0x36: {  	s18 =	sadd.s32 $0x200, s18  }
0x37: {  	_ =	swait.ge [sflag:s13], $0x800  }
0x38: {  	[sflag:s13] =	ssyncset.done $0x0  }
0x39: {  	s3 =	sadd.s32 $0x1, s3  }
0x3a: {  	[sflag:s13] =	ssyncadd.s32 $0xFFFFF800;
	p0 =	sne.s32 s3, s7  }
.Ltmp2:
0x3b: {  	[bflag:$0x0] =	sbarrier.arrive $0xFFFF;
	(pc) =	sbr.rel @p0 .LBB2_1-.Ltmp2, $4  }
0x3c: {  	[hbm:s6], [sflag:s16] =	dma.local [spmem:s17], $0x2800  }
0x3d: {  	_ =	swait.ge [sflag:s13], $0x2800  }
0x3e: {  	[sflag:s13] =	ssyncset.done $0x0  }
0x3f: {  	[sflag:s13] =	ssyncadd.s32 $0xFFFFD800  }
0x40: {  	_ =	sfence.sel $0x180000  }
0x41: {  	[bflag:$0x0] =	sbarrier.arrive $0xFFFF  }
0x42: {  	p0 =	sne.s32 s1, $0x0;
	_ =	strace $0x90000047  }
0x43: {  	s0 =	sadd.s32 @!p0 $0x100000, s0;
	[bflag:$0x2] =	sbarrier.arrive $0xFFFF  }
0x44: {  	[sflag:s0] =	ssyncadd.tile.s32 @!p0 $0x1;
	_ =	shalt  }
.Lfunc_end2:
_tile_overlayer_lowered:
.L_overlay_start_2:
0x45: {  	(tag) =	ssettag $0x2  }
0x46: {  	s0 =	rddreg [dreg:$0x0];
	s2 =	stileid.u32  }
0x47: {  	s1 =	rddreg [dreg:$0x1];
	p0 =	sne.s32 s2, $0x0  }
0x48: {  	s3 =	rddreg [dreg:$0x2];
	[bflag:$0x3] =	sbarrier.arrive $0xFFFF;
	s2 =	simm.s32 @!p0 $0x1C01  }
0x49: {  	[timem:s3], [sflag:s2] =	dma.local @!p0 [hbm:s0], s1  }
0x4a: {  	s0 =	simm.s32 @!p0 $0x1  }
0x4b: {  	_ =	swait.ge @!p0 [sflag:s0], s1  }
0x4c: {  	s1 =	ssub.s32 @!p0 $0x0, s1;
	[sflag:s0] =	ssyncset.done @!p0 $0x0  }
0x4d: {  	[sflag:s0] =	ssyncadd.s32 @!p0 s1  }
0x4e: {  	[bflag:$0x3] =	sbarrier.arrive $0xFFFF  }
0x4f: {  	_ =	shalt  }

// kernel: kernel.13.cloned.1.call-start
scs
__scs_entry_jumppad:
0x0: {  	(pc) =	sbr.rel $0x88, $3  }
0x1: {  	(tag) =	ssettag $0x0;
	lr =	simm.s32 $0x1  }
0x2: {  	[smem:$0x3F9A] =	sst lr;
	_ =	strace $0xD0000000  }
0x3: {  	_ = 	snop  }
0x4: {  	_ = 	snop  }
0x5: {  	_ = 	snop  }
0x6: {  	_ = 	snop  }
0x7: {  	_ = 	snop  }
__scs_overlays_trampoline_lowered:
0x8: {  	[smem:$0x3FA9] =	sst s0  }
0x9: {  	[smem:$0x3FAA] =	sst s1  }
0xa: {  	[smem:$0x3FAB] =	sst s2  }
0xb: {  	[smem:$0x3FAC] =	sst s3  }
0xc: {  	[smem:$0x3FAD] =	sst s4  }
0xd: {  	[smem:$0x3FAE] =	sst s5  }
0xe: {  	[smem:$0x3FAF] =	sst s6  }
0xf: {  	[smem:$0x3FB0] =	sst s7  }
0x10: {  	[smem:$0x3FB1] =	sst s8  }
0x11: {  	[smem:$0x3FB2] =	sst s9;
	s0 =	simm.s32 @!p0 $0x0  }
0x12: {  	s1 =	sld [smem:$0x3F98];
	s0 =	simm.s32 @p0 $0x1  }
0x13: {  	[smem:$0x3FB3] =	sst s0;
	s0 =	simm.s32 @!p1 $0x0  }
0x14: {  	s2 =	sld [smem:$0x3F97];
	s0 =	simm.s32 @p1 $0x1  }
0x15: {  	[smem:$0x3FB4] =	sst s0;
	s0 =	simm.s32 @!p2 $0x0  }
0x16: {  	s3 =	sld [smem:$0x3FDB];
	s0 =	simm.s32 @p2 $0x1  }
0x17: {  	s4 =	simm.s32 $0x1BF5;
	[smem:$0x3FB6] =	sst s0  }
0x18: {  	s0 =	sld [smem:$0x3F99];
	_ =	swait.ge [sflag:s4], $0x0  }
0x19: {  	s7 =	sld [smem:$0x3F9A]  }
0x1a: {  	s8 =	sadd.s32 $0xFFFFE003, lr  }
0x1b: {  	s9 =	sadd.s32 $0xFFFFFEF7, lr;
	s5 =	simm.s32 $0xFFFFFFFF;
	p2 =	slt.u32 s8, $0xFFFFF086  }
0x1c: {  	p1 =	slt.u32 s9, $0xF7A;
	s5 =	simm.s32 @!p2 $0x0  }
0x1d: {  	s5 =	simm.s32 @p1 $0x1;
	p0 =	seq.s32 s7, s2  }
0x1e: {  	s7 =	smul.u32 @!p0 $0xF7A, s2;
	p2 =	seq.s32 @!p0 s5, $0x0  }
0x1f: {  	s9 =	smul.u32 $0xF7A, s1;
	s8 =	simm.s32 @!p0 $0x1BF5;
	p2 =	por !p2, p0  }
0x20: {  	[sflag:s8] =	ssyncset.s32 @!p0 $0xFFFFF086;
	s6 =	sadd.s32 @!p0 s3, s7;
	s7 =	simm.s32 @!p0 $0x108  }
0x21: {  	s3 =	sadd.s32 s3, s9;
	s6 =	sadd.s32 @!p0 $0x88, s6;
	s7 =	simm.s32 @p2 $0x1082  }
0x22: {  	[simem:s7], [sflag:s8] =	dma.local @!p0 [hbm:s6], $0xF7A  }
0x23: {  	s9 =	sor.u32 $0xD0000000, s2;
	s6 =	simm.s32 $0x108;
	_ =	swait.ge @!p0 [sflag:s8], $0x0  }
0x24: {  	s3 =	sadd.s32 $0x88, s3;
	s6 =	simm.s32 @!p1 $0x1082;
	[sflag:s4] =	ssyncset.s32 $0xFFFFF086  }
0x25: {  	[simem:s6], [sflag:s4] =	dma.local [hbm:s3], $0xF7A  }
0x26: {  	[smem:$0x3F9A] =	sst s1;
	(tag) =	ssettag s2;
	_ =	strace s9  }
0x27: {  	s1 =	sld [smem:$0x3FAA]  }
0x28: {  	s2 =	sld [smem:$0x3FAB]  }
0x29: {  	s4 =	sld [smem:$0x3FAD]  }
0x2a: {  	p0 =	seq.s32 s5, $0x0;
	s5 =	sld [smem:$0x3FAE]  }
0x2b: {  	s6 =	sld [smem:$0x3FAF]  }
0x2c: {  	s7 =	sld [smem:$0x3FB0]  }
0x2d: {  	s3 =	simm.s32 $0x108;
	s8 =	sld [smem:$0x3FB1]  }
0x2e: {  	s3 =	simm.s32 @!p0 $0x1082;
	s9 =	sld [smem:$0x3FB2]  }
0x2f: {  	lr =	sadd.s32 s0, s3;
	s0 =	sld [smem:$0x3FA9]  }
0x30: {  	s3 =	sld [smem:$0x3FAC]  }
0x31: {  	[smem:$0x3FB5] =	sst s10  }
0x32: {  	s10 =	sld [smem:$0x3FB3];
	_ =	sdelay $0x3  }
0x33: {  	p0 =	seq.s32 s10, $0x1;
	s10 =	sld [smem:$0x3FB5];
	_ =	sdelay $0x3  }
0x34: {  	[smem:$0x3FB5] =	sst s10  }
0x35: {  	s10 =	sld [smem:$0x3FB4];
	_ =	sdelay $0x3  }
0x36: {  	p1 =	seq.s32 s10, $0x1;
	s10 =	sld [smem:$0x3FB5];
	_ =	sdelay $0x3  }
0x37: {  	[smem:$0x3FB5] =	sst s10  }
0x38: {  	s10 =	sld [smem:$0x3FB6]  }
0x39: {  	_ = 	snop;
	(pc) =	sbr.ind lr, $3  }
0x3a: {  	_ = 	snop  }
0x3b: {  	_ = 	snop  }
0x3c: {  	p2 =	seq.s32 s10, $0x1;
	s10 =	sld [smem:$0x3FB5]  }
0x3d: {  	_ =	shalt  }
0x3e: {  	_ =	shalt  }
0x3f: {  	_ =	shalt  }
0x40: {  	_ =	shalt  }
0x41: {  	_ =	shalt  }
0x42: {  	_ =	shalt  }
0x43: {  	_ =	shalt  }
0x44: {  	_ =	shalt  }
0x45: {  	_ =	shalt  }
0x46: {  	_ =	shalt  }
0x47: {  	_ =	shalt  }
0x48: {  	_ =	shalt  }
0x49: {  	_ =	shalt  }
0x4a: {  	_ =	shalt  }
0x4b: {  	_ =	shalt  }
0x4c: {  	_ =	shalt  }
0x4d: {  	_ =	shalt  }
0x4e: {  	_ =	shalt  }
0x4f: {  	_ =	shalt  }
0x50: {  	_ =	shalt  }
0x51: {  	_ =	shalt  }
0x52: {  	_ =	shalt  }
0x53: {  	_ =	shalt  }
0x54: {  	_ =	shalt  }
0x55: {  	_ =	shalt  }
0x56: {  	_ =	shalt  }
0x57: {  	_ =	shalt  }
0x58: {  	_ =	shalt  }
0x59: {  	_ =	shalt  }
0x5a: {  	_ =	shalt  }
0x5b: {  	_ =	shalt  }
0x5c: {  	_ =	shalt  }
0x5d: {  	_ =	shalt  }
0x5e: {  	_ =	shalt  }
0x5f: {  	_ =	shalt  }
0x60: {  	_ =	shalt  }
0x61: {  	_ =	shalt  }
0x62: {  	_ =	shalt  }
0x63: {  	_ =	shalt  }
0x64: {  	_ =	shalt  }
0x65: {  	_ =	shalt  }
0x66: {  	_ =	shalt  }
0x67: {  	_ =	shalt  }
0x68: {  	_ =	shalt  }
0x69: {  	_ =	shalt  }
0x6a: {  	_ =	shalt  }
0x6b: {  	_ =	shalt  }
0x6c: {  	_ =	shalt  }
0x6d: {  	_ =	shalt  }
0x6e: {  	_ =	shalt  }
0x6f: {  	_ =	shalt  }
0x70: {  	_ =	shalt  }
0x71: {  	_ =	shalt  }
0x72: {  	_ =	shalt  }
0x73: {  	_ =	shalt  }
0x74: {  	_ =	shalt  }
0x75: {  	_ =	shalt  }
0x76: {  	_ =	shalt  }
0x77: {  	_ =	shalt  }
0x78: {  	_ =	shalt  }
0x79: {  	_ =	shalt  }
0x7a: {  	_ =	shalt  }
0x7b: {  	_ =	shalt  }
0x7c: {  	_ =	shalt  }
0x7d: {  	_ =	shalt  }
0x7e: {  	_ =	shalt  }
0x7f: {  	_ =	shalt  }
0x80: {  	_ =	shalt  }
0x81: {  	_ =	shalt  }
0x82: {  	_ =	shalt  }
0x83: {  	_ =	shalt  }
0x84: {  	_ =	shalt  }
0x85: {  	_ =	shalt  }
0x86: {  	_ =	shalt  }
0x87: {  	_ =	shalt  }
.Lfunc_end0:
.L_simem_size_0:
called_computation.1_lowered:
.L_overlay_start_0:
0x88: {  	s2 =	sld [smem:$0x3FD9]  }
0x89: {  	s3 =	sld [smem:$0x3FFE];
	_ =	sdelay $0x1  }
0x8a: {  	s1 =	srdreg.scid  }
0x8b: {  	s0 =	sand.u32 $0x1, s1  }
0x8c: {  	s16 =	sshll.u32 s0, $0xA;
	s2 =	sadd.s32 s3, s2  }
0x8d: {  	s2 =	sadd.s32 s2, s16  }
0x8e: {  	[smem:$0x3FC1] =	sst s2  }
0x8f: {  	_ = 	snop  }
0x90: {  	(tm) =	ssettm $0x1  }
0x91: {  	s17 =	sld [smem:$0x3FFB];
	_ =	sdelay $0x3  }
0x92: {  	_ =	strace s17  }
0x93: {  	s2 =	sld [smem:$0x3FFC];
	_ =	sdelay $0x3  }
0x94: {  	_ =	strace s2  }
0x95: {  	s2 =	sld [smem:$0x3FFD];
	_ =	sdelay $0x3  }
0x96: {  	_ =	strace s2  }
0x97: {  	_ =	strace $0x8FFFFFFF  }
0x98: {  	s18 =	sld [smem:$0x3FDB];
	_ =	sdelay $0x1  }
0x99: {  	s19 =	simm.s32 $_scs_section_size  }
0x9a: {  	s4 =	simm.s32 $_size__tile_overlayer_lowered;
	s5 =	simm.s32 $_tile_overlayer_lowered  }
0x9b: {  	s22 =	simm.s32 $0x1BFF;
	s21 =	sshll.u32 s5, $0x1;
	s2 =	sadd.s32 s19, s18  }
0x9c: {  	s6 =	simm.s32 $0x0;
	s20 =	sshll.u32 s4, $0x1;
	s4 =	sadd.s32 s21, s2  }
0x9d: {  	[timem:s6], [sflag:s22] =	dma.local [hbm:s4], s20  }
0x9e: {  	_ =	swait.ge [sflag:s22], s20  }
0x9f: {  	s3 =	ssub.s32 $0x0, s20;
	[sflag:s22] =	ssyncset.done $0x0  }
0xa0: {  	[sflag:s22] =	ssyncadd.s32 s3;
	_ =	sdelay $0x1  }
0xa1: {  	s23 =	simm.s32 $0x1B8B  }
0xa2: {  	_ =	swait.ge [sflag:s23], $0x1  }
0xa3: {  	[sflag:s23] =	ssyncset.done $0x0  }
0xa4: {  	s25 =	simm.s32 $0x1B8E;
	s24 =	sld [smem:$0x3FFE];
	[sflag:s23] =	ssyncadd.s32 $0xFFFFFFFF  }
0xa5: {  	s26 =	simm.s32 $execute0_lowered;
	[smem:$0x3FD2] =	sst s25  }
0xa6: {  	s4 =	sshll.u32 s26, $0x1;
	_ =	strace $0x80000049;
	[dreg:$0x1] =	wrdreg $0xFFFFFFFF  }
0xa7: {  	s28 =	simm.s32 $_size_execute0_lowered;
	s2 =	sadd.s32 s2, s4;
	[dreg:$0x0] =	wrdreg $0x0  }
0xa8: {  	s4 =	sshll.u32 s28, $0x1;
	[dreg:$0x2] =	wrdreg s2  }
0xa9: {  	[dreg:$0x3] =	wrdreg s4  }
0xaa: {  	[dreg:$0x4] =	wrdreg $0xC0  }
0xab: {  	_ =	task [dreg:s6], $0x5FFFF  }
0xac: {  	[dreg:$0x1] =	wrdreg $0xFFFFFFFF  }
0xad: {  	[dreg:$0x0] =	wrdreg $0x60  }
0xae: {  	[dreg:$0x2] =	wrdreg s24  }
0xaf: {  	[dreg:$0x3] =	wrdreg $0x82000  }
0xb0: {  	[dreg:$0x4] =	wrdreg $0x9  }
0xb1: {  	_ =	task.clear_ibuf [dreg:s6], $0x5FFFF;
	_ =	strace $0x90000049  }
0xb2: {  	s29 =	simm.s32 $0x9;
	_ =	strace $0x8000004B  }
0xb3: {  	_ =	swait.ge [sflag:s29], $0x1  }
0xb4: {  	[sflag:s29] =	ssyncadd.s32 $0xFFFFFFFF  }
0xb5: {  	_ =	strace $0x9000004B  }
0xb6: {  	_ =	sfence  }
0xb7: {  	s30 =	sld [smem:$0x0];
	_ =	sdelay $0x2  }
0xb8: {  	s31 =	sshll.u32 s1, $0xD;
	s1 =	sshrl.u32 s1, $0x2  }
0xb9: {  	s3 =	sand.u32 $0x4000, s31;
	s1 =	sadd.s32 s1, s30  }
0xba: {  	s0 =	sor.u32 s3, s0;
	s1 =	sshll.u32 s1, $0x11  }
0xbb: {  	s0 =	sor.u32 s1, s0  }
0xbc: {  	s0 =	sadd.s32 $0x8F2B, s0  }
0xbd: {  	[sflag:s0] =	ssyncadd.remote.s32 $0x1  }
0xbe: {  	_ =	sfence.sel $0xFFFF  }
0xbf: {  	[dreg:$0x0] =	wrdreg $0xFFFFFFFF;
	(pc) =	sbr.abs _section_cstart, $3  }
0xc0: {  	[dreg:$0x1] =	wrdreg $0xFFFFFFFF  }
0xc1: {  	_ =	task.clear_ibuf [dreg:s6], $0x2FFFF;
	_ =	strace $0x9FFFFFFF  }
0xc2: {  	(tm) =	ssettm $0x7FFFFFFF  }
0xc3: {  	_ =	shalt  }
tec
execute0_lowered:
.L_overlay_start_1:
0x0: {  	(tag) =	ssettag $0x1  }
0x1: {  	s5 =	rddreg [dreg:$0x0];
	s1 =	srdreg.scid  }
0x2: {  	s0 =	stileid.u32;
	s2 =	rddreg [dreg:$0x1];
	s3 =	simm.s32 $0x0  }
0x3: {  	s13 =	simm.s32 $0x200;
	s14 =	simm.s32 $0x1;
	s4 =	smul.u32 $0x5000, s0  }
0x4: {  	s15 =	simm.s32 $0x4200;
	s16 =	simm.s32 $0x100;
	s9 =	smul.u32 $0x14000, s0  }
0x5: {  	s6 =	sand.u32 $0x1, s1;
	s1 =	rddreg [dreg:$0x2];
	s10 =	smul.u32 $0x50000, s0  }
0x6: {  	s19 =	simm.s32 $0x0;
	[smem:$0x7FF] =	sst s3;
	s7 =	smul.u32 $0x2800, s6  }
0x7: {  	s17 =	sshll.u32 s0, $0x6;
	s8 =	smul.u32 $0x140000, s6;
	_ =	strace $0x8000004A  }
0x8: {  	s6 =	ssub.s32 $0x2, s6;
	s17 =	sor.u32 $0x1C01, s17;
	s7 =	sadd.s32 s7, s4  }
0x9: {  	s30 =	sshrl.u32 s6, $0x1;
	s29 =	sadd.s32 s9, s8;
	s7 =	sshrl.u32 s7, $0x3  }
0xa: {  	s31 =	sshrl.u32 s10, $0x2;
	s12 =	sadd.s32 s7, s5;
	s7 =	sshrl.u32 s29, $0x3  }
0xb: {  	s4 =	sadd.s32 $0xC600, s5;
	s8 =	ssub.s32 s6, s30;
	s7 =	sadd.s32 s7, s5  }
0xc: {  	s5 =	sadd.s32 s31, s2;
	s11 =	sadd.s32 $0x2600, s12;
	s12 =	sadd.s32 $0x5C600, s12  }
0xd: {  	s6 =	sadd.s32 $0x66600, s7;
	s7 =	smax.u32 s8, $0x1;
	s8 =	sadd.s32 $0x4000, s5  }
0xe: {  	v0 =	vimm.f32 $0.0e+00;
	s9 =	sadd.s32 $0x8000, s5;
	s10 =	sadd.s32 $0xC000, s5;
	s18 =	sshrl.u32 s5, $0x3  }
.LBB2_1:
0xf: {  	s20 =	simm.s32 $0x0;
	s21 =	simm.s32 $0x200  }
.LBB2_2:
0x10: {  	p0 =	sne.s32 s21, $0x1FE00;
	[tilespmem:s20+$0x270] =	vst v0  }
0x11: {  	[tilespmem:s20+$0x200] =	vst v0  }
0x12: {  	[tilespmem:s20+$0x210] =	vst v0  }
.Ltmp0:
0x13: {  	[tilespmem:s20+$0x220] =	vst v0;
	(pc) =	sbr.rel @p0 .LBB2_2-.Ltmp0, $4  }
0x14: {  	[tilespmem:s20+$0x230] =	vst v0  }
0x15: {  	[tilespmem:s20+$0x240] =	vst v0  }
0x16: {  	[tilespmem:s20+$0x250] =	vst v0  }
0x17: {  	[tilespmem:s20+$0x260] =	vst v0;
	s20 =	sshra.s32 s21, $0x2;
	s21 =	sadd.s32 $0x200, s21  }
0x18: {  	[tilespmem:s20+$0x270] =	vst v0  }
0x19: {  	[tilespmem:s20+$0x200] =	vst v0  }
0x1a: {  	[tilespmem:s20+$0x210] =	vst v0  }
0x1b: {  	[tilespmem:s20+$0x220] =	vst v0  }
0x1c: {  	[tilespmem:s20+$0x230] =	vst v0  }
0x1d: {  	[tilespmem:s20+$0x240] =	vst v0  }
0x1e: {  	[tilespmem:s20+$0x250] =	vst v0  }
0x1f: {  	[tilespmem:s20+$0x260] =	vst v0  }
0x20: {  	[spmem:s5] =	stream.linear.scatter [tilespmem:s13], [sflag:$0x1], $0x4000, $0x38;
	[tilespmem:$0x1C200] =	vst v63  }
0x21: {  	_ =	swait.ge [sflag:s14], $0x4000  }
0x22: {  	[sflag:s14] =	ssyncset.done $0x0  }
0x23: {  	[sflag:s14] =	ssyncadd.s32 $0xFFFFC000  }
0x24: {  	[spmem:s8] =	stream.linear.scatter [tilespmem:s15], [sflag:$0x1], $0x4000, $0x38;
	[tilespmem:$0x1C200] =	vst v63  }
0x25: {  	_ =	swait.ge [sflag:s14], $0x4000  }
0x26: {  	[sflag:s14] =	ssyncset.done $0x0  }
0x27: {  	[sflag:s14] =	ssyncadd.s32 $0xFFFFC000  }
0x28: {  	[spmem:s9] =	stream.linear.scatter [tilespmem:s13], [sflag:$0x1], $0x4000, $0x38;
	[tilespmem:$0x1C200] =	vst v63  }
0x29: {  	_ =	swait.ge [sflag:s14], $0x4000  }
0x2a: {  	[sflag:s14] =	ssyncset.done $0x0  }
0x2b: {  	[sflag:s14] =	ssyncadd.s32 $0xFFFFC000  }
0x2c: {  	[spmem:s10] =	stream.linear.scatter [tilespmem:s15], [sflag:$0x1], $0x4000, $0x38;
	[tilespmem:$0x1C200] =	vst v63  }
0x2d: {  	_ =	swait.ge [sflag:s14], $0x4000  }
0x2e: {  	[sflag:s14] =	ssyncset.done $0x0  }
0x2f: {  	[sflag:s14] =	ssyncadd.s32 $0xFFFFC000  }
0x30: {  	s30 =	sadd.s32 $0x0, s12;
	[bflag:$0x0] =	sbarrier.arrive $0xFFFF  }
0x31: {  	[tilespmem:s3], [sflag:$0x1] =	stream.linear.gather [hbm4b:s30+s3], $0x100, $0x38;
	[tilespmem:$0x1C200] =	vst v63  }
0x32: {  	_ =	swait.ge [sflag:s14], $0x100  }
0x33: {  	[sflag:s14] =	ssyncset.done $0x0  }
0x34: {  	s31 =	sadd.s32 $0x0, s11;
	[sflag:s14] =	ssyncadd.s32 $0xFFFFFF00  }
0x35: {  	[tilespmem:s16], [sflag:$0x1] =	stream.linear.gather [hbm4b:s31+s3], $0x100, $0x38;
	[tilespmem:$0x1C200] =	vst v63  }
0x36: {  	_ =	swait.ge [sflag:s14], $0x100  }
0x37: {  	[sflag:s14] =	ssyncset.done $0x0  }
0x38: {  	[sflag:s14] =	ssyncadd.s32 $0xFFFFFF00  }
0x39: {  	[tilespmem:s13], [sflag:$0x1] =	stream.indirect.gather [hbm4b:s4+s16], $0x80, s3, s16, $0xb8;
	[tilespmem:$0x1C200] =	vst v63  }
0x3a: {  	_ =	swait.ge [sflag:s14], $0x8000  }
0x3b: {  	[sflag:s14] =	ssyncset.done $0x0  }
0x3c: {  	[sflag:s14] =	ssyncadd.s32 $0xFFFF8000  }
0x3d: {  	[spmem:s2] =	stream.indirect.scatter.add.f32 [tilespmem:s13], [sflag:$0x1], $0x80, s16, s16, $0xb8;
	[tilespmem:$0x1C200] =	vst v63  }
0x3e: {  	_ =	swait.ge [sflag:s14], $0x8000  }
0x3f: {  	s20 =	simm.s32 $0x20;
	s21 =	simm.s32 $0x40;
	[sflag:s14] =	ssyncset.done $0x0  }
.LBB2_4:
0x40: {  	s22 =	sadd.s32 s20, s12  }
0x41: {  	[sflag:s14] =	ssyncadd.s32 $0xFFFF8000;
	s23 =	smov.u32 s21;
	s24 =	sadd.s32 $0x20, s21  }
0x42: {  	[tilespmem:s3], [sflag:$0x1] =	stream.linear.gather [hbm4b:s22+s3], $0x100, $0x38;
	[tilespmem:$0x1C200] =	vst v63  }
0x43: {  	p0 =	sne.s32 s21, $0x4E0;
	_ =	swait.ge [sflag:s14], $0x100  }
0x44: {  	[sflag:s14] =	ssyncset.done $0x0  }
0x45: {  	s21 =	sadd.s32 s20, s11;
	s20 =	smov.u32 s23;
	[sflag:s14] =	ssyncadd.s32 $0xFFFFFF00  }
0x46: {  	[tilespmem:s16], [sflag:$0x1] =	stream.linear.gather [hbm4b:s21+s3], $0x100, $0x38;
	[tilespmem:$0x1C200] =	vst v63  }
0x47: {  	_ =	swait.ge [sflag:s14], $0x100  }
0x48: {  	[sflag:s14] =	ssyncset.done $0x0  }
0x49: {  	[sflag:s14] =	ssyncadd.s32 $0xFFFFFF00  }
0x4a: {  	[tilespmem:s13], [sflag:$0x1] =	stream.indirect.gather [hbm4b:s4+s16], $0x80, s3, s16, $0xb8;
	[tilespmem:$0x1C200] =	vst v63  }
0x4b: {  	_ =	swait.ge [sflag:s14], $0x8000  }
.Ltmp1:
0x4c: {  	[sflag:s14] =	ssyncset.done $0x0;
	(pc) =	sbr.rel @p0 .LBB2_4-.Ltmp1, $4  }
0x4d: {  	[sflag:s14] =	ssyncadd.s32 $0xFFFF8000  }
0x4e: {  	[spmem:s2] =	stream.indirect.scatter.add.f32 [tilespmem:s13], [sflag:$0x1], $0x80, s16, s16, $0xb8;
	[tilespmem:$0x1C200] =	vst v63  }
0x4f: {  	_ =	swait.ge [sflag:s14], $0x8000  }
0x50: {  	s21 =	smov.u32 s24;
	[sflag:s14] =	ssyncset.done $0x0  }
0x51: {  	s21 =	sadd.s32 s20, s12;
	[sflag:s14] =	ssyncadd.s32 $0xFFFF8000  }
0x52: {  	[tilespmem:s3], [sflag:$0x1] =	stream.linear.gather [hbm4b:s21+s3], $0x100, $0x38;
	[tilespmem:$0x1C200] =	vst v63  }
0x53: {  	_ =	swait.ge [sflag:s14], $0x100  }
0x54: {  	[sflag:s14] =	ssyncset.done $0x0  }
0x55: {  	s31 =	sadd.s32 s20, s11;
	[sflag:s14] =	ssyncadd.s32 $0xFFFFFF00  }
0x56: {  	[tilespmem:s16], [sflag:$0x1] =	stream.linear.gather [hbm4b:s31+s3], $0x100, $0x38;
	[tilespmem:$0x1C200] =	vst v63  }
0x57: {  	_ =	swait.ge [sflag:s14], $0x100  }
0x58: {  	[sflag:s14] =	ssyncset.done $0x0  }
0x59: {  	[sflag:s14] =	ssyncadd.s32 $0xFFFFFF00  }
0x5a: {  	[tilespmem:s13], [sflag:$0x1] =	stream.indirect.gather [hbm4b:s4+s16], $0x80, s3, s16, $0xb8;
	[tilespmem:$0x1C200] =	vst v63  }
0x5b: {  	_ =	swait.ge [sflag:s14], $0x8000  }
0x5c: {  	[sflag:s14] =	ssyncset.done $0x0  }
0x5d: {  	[sflag:s14] =	ssyncadd.s32 $0xFFFF8000  }
0x5e: {  	[spmem:s2] =	stream.indirect.scatter.add.f32 [tilespmem:s13], [sflag:$0x1], $0x80, s16, s16, $0xb8;
	[tilespmem:$0x1C200] =	vst v63  }
0x5f: {  	_ =	swait.ge [sflag:s14], $0x8000  }
0x60: {  	s19 =	sadd.s32 $0x1, s19;
	[sflag:s14] =	ssyncset.done $0x0  }
0x61: {  	p0 =	sne.s32 s19, s7;
	[sflag:s14] =	ssyncadd.s32 $0xFFFF8000  }
.Ltmp2:
0x62: {  	[bflag:$0x0] =	sbarrier.arrive $0xFFFF;
	(pc) =	sbr.rel @p0 .LBB2_1-.Ltmp2, $4  }
0x63: {  	[hbm:s6], [sflag:s17] =	dma.local [spmem:s18], $0x2800  }
0x64: {  	_ =	swait.ge [sflag:s14], $0x2800  }
0x65: {  	[sflag:s14] =	ssyncset.done $0x0  }
0x66: {  	[sflag:s14] =	ssyncadd.s32 $0xFFFFD800  }
0x67: {  	_ =	sfence.sel $0x180000  }
0x68: {  	[bflag:$0x0] =	sbarrier.arrive $0xFFFF  }
0x69: {  	p0 =	sne.s32 s0, $0x0;
	_ =	strace $0x9000004A  }
0x6a: {  	s0 =	sadd.s32 @!p0 $0x100000, s1;
	[bflag:$0x2] =	sbarrier.arrive $0xFFFF  }
0x6b: {  	[sflag:s0] =	ssyncadd.tile.s32 @!p0 $0x1;
	_ =	shalt  }
.Lfunc_end2:
_tile_overlayer_lowered:
.L_overlay_start_2:
0x6c: {  	(tag) =	ssettag $0x2  }
0x6d: {  	s0 =	rddreg [dreg:$0x0];
	s2 =	stileid.u32  }
0x6e: {  	s1 =	rddreg [dreg:$0x1];
	p0 =	sne.s32 s2, $0x0  }
0x6f: {  	s3 =	rddreg [dreg:$0x2];
	[bflag:$0x3] =	sbarrier.arrive $0xFFFF;
	s2 =	simm.s32 @!p0 $0x1C01  }
0x70: {  	[timem:s3], [sflag:s2] =	dma.local @!p0 [hbm:s0], s1  }
0x71: {  	s0 =	simm.s32 @!p0 $0x1  }
0x72: {  	_ =	swait.ge @!p0 [sflag:s0], s1  }
0x73: {  	s1 =	ssub.s32 @!p0 $0x0, s1;
	[sflag:s0] =	ssyncset.done @!p0 $0x0  }
0x74: {  	[sflag:s0] =	ssyncadd.s32 @!p0 s1  }
0x75: {  	[bflag:$0x3] =	sbarrier.arrive $0xFFFF  }
0x76: {  	_ =	shalt  }

// kernel: kernel.16.cloned.1.call-start
scs
__scs_entry_jumppad:
0x0: {  	(pc) =	sbr.rel $0x88, $3  }
0x1: {  	(tag) =	ssettag $0x0;
	lr =	simm.s32 $0x1  }
0x2: {  	[smem:$0x3F9A] =	sst lr;
	_ =	strace $0xD0000000  }
0x3: {  	_ = 	snop  }
0x4: {  	_ = 	snop  }
0x5: {  	_ = 	snop  }
0x6: {  	_ = 	snop  }
0x7: {  	_ = 	snop  }
__scs_overlays_trampoline_lowered:
0x8: {  	[smem:$0x3FA9] =	sst s0  }
0x9: {  	[smem:$0x3FAA] =	sst s1  }
0xa: {  	[smem:$0x3FAB] =	sst s2  }
0xb: {  	[smem:$0x3FAC] =	sst s3  }
0xc: {  	[smem:$0x3FAD] =	sst s4  }
0xd: {  	[smem:$0x3FAE] =	sst s5  }
0xe: {  	[smem:$0x3FAF] =	sst s6  }
0xf: {  	[smem:$0x3FB0] =	sst s7  }
0x10: {  	[smem:$0x3FB1] =	sst s8  }
0x11: {  	[smem:$0x3FB2] =	sst s9;
	s0 =	simm.s32 @!p0 $0x0  }
0x12: {  	s1 =	sld [smem:$0x3F98];
	s0 =	simm.s32 @p0 $0x1  }
0x13: {  	[smem:$0x3FB3] =	sst s0;
	s0 =	simm.s32 @!p1 $0x0  }
0x14: {  	s2 =	sld [smem:$0x3F97];
	s0 =	simm.s32 @p1 $0x1  }
0x15: {  	[smem:$0x3FB4] =	sst s0;
	s0 =	simm.s32 @!p2 $0x0  }
0x16: {  	s3 =	sld [smem:$0x3FDB];
	s0 =	simm.s32 @p2 $0x1  }
0x17: {  	s4 =	simm.s32 $0x1BF5;
	[smem:$0x3FB6] =	sst s0  }
0x18: {  	s0 =	sld [smem:$0x3F99];
	_ =	swait.ge [sflag:s4], $0x0  }
0x19: {  	s7 =	sld [smem:$0x3F9A]  }
0x1a: {  	s8 =	sadd.s32 $0xFFFFE003, lr  }
0x1b: {  	s9 =	sadd.s32 $0xFFFFFEF7, lr;
	s5 =	simm.s32 $0xFFFFFFFF;
	p2 =	slt.u32 s8, $0xFFFFF086  }
0x1c: {  	p1 =	slt.u32 s9, $0xF7A;
	s5 =	simm.s32 @!p2 $0x0  }
0x1d: {  	s5 =	simm.s32 @p1 $0x1;
	p0 =	seq.s32 s7, s2  }
0x1e: {  	s7 =	smul.u32 @!p0 $0xF7A, s2;
	p2 =	seq.s32 @!p0 s5, $0x0  }
0x1f: {  	s9 =	smul.u32 $0xF7A, s1;
	s8 =	simm.s32 @!p0 $0x1BF5;
	p2 =	por !p2, p0  }
0x20: {  	[sflag:s8] =	ssyncset.s32 @!p0 $0xFFFFF086;
	s6 =	sadd.s32 @!p0 s3, s7;
	s7 =	simm.s32 @!p0 $0x108  }
0x21: {  	s3 =	sadd.s32 s3, s9;
	s6 =	sadd.s32 @!p0 $0x88, s6;
	s7 =	simm.s32 @p2 $0x1082  }
0x22: {  	[simem:s7], [sflag:s8] =	dma.local @!p0 [hbm:s6], $0xF7A  }
0x23: {  	s9 =	sor.u32 $0xD0000000, s2;
	s6 =	simm.s32 $0x108;
	_ =	swait.ge @!p0 [sflag:s8], $0x0  }
0x24: {  	s3 =	sadd.s32 $0x88, s3;
	s6 =	simm.s32 @!p1 $0x1082;
	[sflag:s4] =	ssyncset.s32 $0xFFFFF086  }
0x25: {  	[simem:s6], [sflag:s4] =	dma.local [hbm:s3], $0xF7A  }
0x26: {  	[smem:$0x3F9A] =	sst s1;
	(tag) =	ssettag s2;
	_ =	strace s9  }
0x27: {  	s1 =	sld [smem:$0x3FAA]  }
0x28: {  	s2 =	sld [smem:$0x3FAB]  }
0x29: {  	s4 =	sld [smem:$0x3FAD]  }
0x2a: {  	p0 =	seq.s32 s5, $0x0;
	s5 =	sld [smem:$0x3FAE]  }
0x2b: {  	s6 =	sld [smem:$0x3FAF]  }
0x2c: {  	s7 =	sld [smem:$0x3FB0]  }
0x2d: {  	s3 =	simm.s32 $0x108;
	s8 =	sld [smem:$0x3FB1]  }
0x2e: {  	s3 =	simm.s32 @!p0 $0x1082;
	s9 =	sld [smem:$0x3FB2]  }
0x2f: {  	lr =	sadd.s32 s0, s3;
	s0 =	sld [smem:$0x3FA9]  }
0x30: {  	s3 =	sld [smem:$0x3FAC]  }
0x31: {  	[smem:$0x3FB5] =	sst s10  }
0x32: {  	s10 =	sld [smem:$0x3FB3];
	_ =	sdelay $0x3  }
0x33: {  	p0 =	seq.s32 s10, $0x1;
	s10 =	sld [smem:$0x3FB5];
	_ =	sdelay $0x3  }
0x34: {  	[smem:$0x3FB5] =	sst s10  }
0x35: {  	s10 =	sld [smem:$0x3FB4];
	_ =	sdelay $0x3  }
0x36: {  	p1 =	seq.s32 s10, $0x1;
	s10 =	sld [smem:$0x3FB5];
	_ =	sdelay $0x3  }
0x37: {  	[smem:$0x3FB5] =	sst s10  }
0x38: {  	s10 =	sld [smem:$0x3FB6]  }
0x39: {  	_ = 	snop;
	(pc) =	sbr.ind lr, $3  }
0x3a: {  	_ = 	snop  }
0x3b: {  	_ = 	snop  }
0x3c: {  	p2 =	seq.s32 s10, $0x1;
	s10 =	sld [smem:$0x3FB5]  }
0x3d: {  	_ =	shalt  }
0x3e: {  	_ =	shalt  }
0x3f: {  	_ =	shalt  }
0x40: {  	_ =	shalt  }
0x41: {  	_ =	shalt  }
0x42: {  	_ =	shalt  }
0x43: {  	_ =	shalt  }
0x44: {  	_ =	shalt  }
0x45: {  	_ =	shalt  }
0x46: {  	_ =	shalt  }
0x47: {  	_ =	shalt  }
0x48: {  	_ =	shalt  }
0x49: {  	_ =	shalt  }
0x4a: {  	_ =	shalt  }
0x4b: {  	_ =	shalt  }
0x4c: {  	_ =	shalt  }
0x4d: {  	_ =	shalt  }
0x4e: {  	_ =	shalt  }
0x4f: {  	_ =	shalt  }
0x50: {  	_ =	shalt  }
0x51: {  	_ =	shalt  }
0x52: {  	_ =	shalt  }
0x53: {  	_ =	shalt  }
0x54: {  	_ =	shalt  }
0x55: {  	_ =	shalt  }
0x56: {  	_ =	shalt  }
0x57: {  	_ =	shalt  }
0x58: {  	_ =	shalt  }
0x59: {  	_ =	shalt  }
0x5a: {  	_ =	shalt  }
0x5b: {  	_ =	shalt  }
0x5c: {  	_ =	shalt  }
0x5d: {  	_ =	shalt  }
0x5e: {  	_ =	shalt  }
0x5f: {  	_ =	shalt  }
0x60: {  	_ =	shalt  }
0x61: {  	_ =	shalt  }
0x62: {  	_ =	shalt  }
0x63: {  	_ =	shalt  }
0x64: {  	_ =	shalt  }
0x65: {  	_ =	shalt  }
0x66: {  	_ =	shalt  }
0x67: {  	_ =	shalt  }
0x68: {  	_ =	shalt  }
0x69: {  	_ =	shalt  }
0x6a: {  	_ =	shalt  }
0x6b: {  	_ =	shalt  }
0x6c: {  	_ =	shalt  }
0x6d: {  	_ =	shalt  }
0x6e: {  	_ =	shalt  }
0x6f: {  	_ =	shalt  }
0x70: {  	_ =	shalt  }
0x71: {  	_ =	shalt  }
0x72: {  	_ =	shalt  }
0x73: {  	_ =	shalt  }
0x74: {  	_ =	shalt  }
0x75: {  	_ =	shalt  }
0x76: {  	_ =	shalt  }
0x77: {  	_ =	shalt  }
0x78: {  	_ =	shalt  }
0x79: {  	_ =	shalt  }
0x7a: {  	_ =	shalt  }
0x7b: {  	_ =	shalt  }
0x7c: {  	_ =	shalt  }
0x7d: {  	_ =	shalt  }
0x7e: {  	_ =	shalt  }
0x7f: {  	_ =	shalt  }
0x80: {  	_ =	shalt  }
0x81: {  	_ =	shalt  }
0x82: {  	_ =	shalt  }
0x83: {  	_ =	shalt  }
0x84: {  	_ =	shalt  }
0x85: {  	_ =	shalt  }
0x86: {  	_ =	shalt  }
0x87: {  	_ =	shalt  }
.Lfunc_end0:
.L_simem_size_0:
called_computation.2_lowered:
.L_overlay_start_0:
0x88: {  	s2 =	sld [smem:$0x3FD9]  }
0x89: {  	s3 =	sld [smem:$0x3FFE];
	_ =	sdelay $0x1  }
0x8a: {  	s1 =	srdreg.scid  }
0x8b: {  	s0 =	sand.u32 $0x1, s1  }
0x8c: {  	s16 =	sshll.u32 s0, $0xA;
	s2 =	sadd.s32 s3, s2  }
0x8d: {  	s2 =	sadd.s32 s2, s16  }
0x8e: {  	[smem:$0x3FC1] =	sst s2  }
0x8f: {  	_ = 	snop  }
0x90: {  	(tm) =	ssettm $0x1  }
0x91: {  	s17 =	sld [smem:$0x3FFB];
	_ =	sdelay $0x3  }
0x92: {  	_ =	strace s17  }
0x93: {  	s2 =	sld [smem:$0x3FFC];
	_ =	sdelay $0x3  }
0x94: {  	_ =	strace s2  }
0x95: {  	s2 =	sld [smem:$0x3FFD];
	_ =	sdelay $0x3  }
0x96: {  	_ =	strace s2  }
0x97: {  	_ =	strace $0x8FFFFFFF  }
0x98: {  	s18 =	sld [smem:$0x3FDB];
	_ =	sdelay $0x1  }
0x99: {  	s19 =	simm.s32 $_scs_section_size  }
0x9a: {  	s4 =	simm.s32 $_size__tile_overlayer_lowered;
	s5 =	simm.s32 $_tile_overlayer_lowered  }
0x9b: {  	s22 =	simm.s32 $0x1BFF;
	s21 =	sshll.u32 s5, $0x1;
	s2 =	sadd.s32 s19, s18  }
0x9c: {  	s6 =	simm.s32 $0x0;
	s20 =	sshll.u32 s4, $0x1;
	s4 =	sadd.s32 s21, s2  }
0x9d: {  	[timem:s6], [sflag:s22] =	dma.local [hbm:s4], s20  }
0x9e: {  	_ =	swait.ge [sflag:s22], s20  }
0x9f: {  	s3 =	ssub.s32 $0x0, s20;
	[sflag:s22] =	ssyncset.done $0x0  }
0xa0: {  	[sflag:s22] =	ssyncadd.s32 s3;
	_ =	sdelay $0x1  }
0xa1: {  	s23 =	simm.s32 $0x1B8B  }
0xa2: {  	_ =	swait.ge [sflag:s23], $0x1  }
0xa3: {  	[sflag:s23] =	ssyncset.done $0x0  }
0xa4: {  	s25 =	simm.s32 $0x1B8E;
	s24 =	sld [smem:$0x3FFE];
	[sflag:s23] =	ssyncadd.s32 $0xFFFFFFFF  }
0xa5: {  	s26 =	simm.s32 $execute0_lowered;
	[smem:$0x3FD2] =	sst s25  }
0xa6: {  	s4 =	sshll.u32 s26, $0x1;
	_ =	strace $0x8000004C;
	[dreg:$0x1] =	wrdreg $0xFFFFFFFF  }
0xa7: {  	s28 =	simm.s32 $_size_execute0_lowered;
	s2 =	sadd.s32 s2, s4;
	[dreg:$0x0] =	wrdreg $0x0  }
0xa8: {  	s4 =	sshll.u32 s28, $0x1;
	[dreg:$0x2] =	wrdreg s2  }
0xa9: {  	[dreg:$0x3] =	wrdreg s4  }
0xaa: {  	[dreg:$0x4] =	wrdreg $0xC0  }
0xab: {  	_ =	task [dreg:s6], $0x5FFFF  }
0xac: {  	[dreg:$0x1] =	wrdreg $0xFFFFFFFF  }
0xad: {  	[dreg:$0x0] =	wrdreg $0x60  }
0xae: {  	[dreg:$0x2] =	wrdreg s24  }
0xaf: {  	[dreg:$0x3] =	wrdreg $0x82000  }
0xb0: {  	[dreg:$0x4] =	wrdreg $0x9  }
0xb1: {  	_ =	task.clear_ibuf [dreg:s6], $0x5FFFF;
	_ =	strace $0x9000004C  }
0xb2: {  	s29 =	simm.s32 $0x9;
	_ =	strace $0x8000004E  }
0xb3: {  	_ =	swait.ge [sflag:s29], $0x1  }
0xb4: {  	[sflag:s29] =	ssyncadd.s32 $0xFFFFFFFF  }
0xb5: {  	_ =	strace $0x9000004E  }
0xb6: {  	_ =	sfence  }
0xb7: {  	s30 =	sld [smem:$0x0];
	_ =	sdelay $0x2  }
0xb8: {  	s31 =	sshll.u32 s1, $0xD;
	s1 =	sshrl.u32 s1, $0x2  }
0xb9: {  	s3 =	sand.u32 $0x4000, s31;
	s1 =	sadd.s32 s1, s30  }
0xba: {  	s0 =	sor.u32 s3, s0;
	s1 =	sshll.u32 s1, $0x11  }
0xbb: {  	s0 =	sor.u32 s1, s0  }
0xbc: {  	s0 =	sadd.s32 $0x8F2B, s0  }
0xbd: {  	[sflag:s0] =	ssyncadd.remote.s32 $0x1  }
0xbe: {  	_ =	sfence.sel $0xFFFF  }
0xbf: {  	[dreg:$0x0] =	wrdreg $0xFFFFFFFF;
	(pc) =	sbr.abs _section_cstart, $3  }
0xc0: {  	[dreg:$0x1] =	wrdreg $0xFFFFFFFF  }
0xc1: {  	_ =	task.clear_ibuf [dreg:s6], $0x2FFFF;
	_ =	strace $0x9FFFFFFF  }
0xc2: {  	(tm) =	ssettm $0x7FFFFFFF  }
0xc3: {  	_ =	shalt  }
tec
execute0_lowered:
.L_overlay_start_1:
0x0: {  	(tag) =	ssettag $0x1  }
0x1: {  	s5 =	rddreg [dreg:$0x0];
	s1 =	srdreg.scid  }
0x2: {  	s0 =	stileid.u32;
	s2 =	rddreg [dreg:$0x1];
	s3 =	simm.s32 $0x0  }
0x3: {  	s13 =	simm.s32 $0x200;
	s14 =	simm.s32 $0x1;
	s4 =	smul.u32 $0x5000, s0  }
0x4: {  	s15 =	simm.s32 $0x4200;
	s16 =	simm.s32 $0x100;
	s9 =	smul.u32 $0x14000, s0  }
0x5: {  	s6 =	sand.u32 $0x1, s1;
	s1 =	rddreg [dreg:$0x2];
	s10 =	smul.u32 $0x50000, s0  }
0x6: {  	s19 =	simm.s32 $0x0;
	[smem:$0x7FF] =	sst s3;
	s7 =	smul.u32 $0x2800, s6  }
0x7: {  	s17 =	sshll.u32 s0, $0x6;
	s8 =	smul.u32 $0x140000, s6;
	_ =	strace $0x8000004D  }
0x8: {  	s6 =	ssub.s32 $0x2, s6;
	s17 =	sor.u32 $0x1C01, s17;
	s7 =	sadd.s32 s7, s4  }
0x9: {  	s30 =	sshrl.u32 s6, $0x1;
	s29 =	sadd.s32 s9, s8;
	s7 =	sshrl.u32 s7, $0x3  }
0xa: {  	s31 =	sshrl.u32 s10, $0x2;
	s12 =	sadd.s32 s7, s5;
	s7 =	sshrl.u32 s29, $0x3  }
0xb: {  	s4 =	sadd.s32 $0xC600, s5;
	s8 =	ssub.s32 s6, s30;
	s7 =	sadd.s32 s7, s5  }
0xc: {  	s5 =	sadd.s32 s31, s2;
	s11 =	sadd.s32 $0x2600, s12;
	s12 =	sadd.s32 $0x5C600, s12  }
0xd: {  	s6 =	sadd.s32 $0x66600, s7;
	s7 =	smax.u32 s8, $0x1;
	s8 =	sadd.s32 $0x4000, s5  }
0xe: {  	v0 =	vimm.f32 $0.0e+00;
	s9 =	sadd.s32 $0x8000, s5;
	s10 =	sadd.s32 $0xC000, s5;
	s18 =	sshrl.u32 s5, $0x3  }
.LBB2_1:
0xf: {  	s20 =	simm.s32 $0x0;
	s21 =	simm.s32 $0x200  }
.LBB2_2:
0x10: {  	p0 =	sne.s32 s21, $0x1FE00;
	[tilespmem:s20+$0x270] =	vst v0  }
0x11: {  	[tilespmem:s20+$0x200] =	vst v0  }
0x12: {  	[tilespmem:s20+$0x210] =	vst v0  }
.Ltmp0:
0x13: {  	[tilespmem:s20+$0x220] =	vst v0;
	(pc) =	sbr.rel @p0 .LBB2_2-.Ltmp0, $4  }
0x14: {  	[tilespmem:s20+$0x230] =	vst v0  }
0x15: {  	[tilespmem:s20+$0x240] =	vst v0  }
0x16: {  	[tilespmem:s20+$0x250] =	vst v0  }
0x17: {  	[tilespmem:s20+$0x260] =	vst v0;
	s20 =	sshra.s32 s21, $0x2;
	s21 =	sadd.s32 $0x200, s21  }
0x18: {  	[tilespmem:s20+$0x270] =	vst v0  }
0x19: {  	[tilespmem:s20+$0x200] =	vst v0  }
0x1a: {  	[tilespmem:s20+$0x210] =	vst v0  }
0x1b: {  	[tilespmem:s20+$0x220] =	vst v0  }
0x1c: {  	[tilespmem:s20+$0x230] =	vst v0  }
0x1d: {  	[tilespmem:s20+$0x240] =	vst v0  }
0x1e: {  	[tilespmem:s20+$0x250] =	vst v0  }
0x1f: {  	[tilespmem:s20+$0x260] =	vst v0  }
0x20: {  	[spmem:s5] =	stream.linear.scatter [tilespmem:s13], [sflag:$0x1], $0x4000, $0x38;
	[tilespmem:$0x1C200] =	vst v63  }
0x21: {  	_ =	swait.ge [sflag:s14], $0x4000  }
0x22: {  	[sflag:s14] =	ssyncset.done $0x0  }
0x23: {  	[sflag:s14] =	ssyncadd.s32 $0xFFFFC000  }
0x24: {  	[spmem:s8] =	stream.linear.scatter [tilespmem:s15], [sflag:$0x1], $0x4000, $0x38;
	[tilespmem:$0x1C200] =	vst v63  }
0x25: {  	_ =	swait.ge [sflag:s14], $0x4000  }
0x26: {  	[sflag:s14] =	ssyncset.done $0x0  }
0x27: {  	[sflag:s14] =	ssyncadd.s32 $0xFFFFC000  }
0x28: {  	[spmem:s9] =	stream.linear.scatter [tilespmem:s13], [sflag:$0x1], $0x4000, $0x38;
	[tilespmem:$0x1C200] =	vst v63  }
0x29: {  	_ =	swait.ge [sflag:s14], $0x4000  }
0x2a: {  	[sflag:s14] =	ssyncset.done $0x0  }
0x2b: {  	[sflag:s14] =	ssyncadd.s32 $0xFFFFC000  }
0x2c: {  	[spmem:s10] =	stream.linear.scatter [tilespmem:s15], [sflag:$0x1], $0x4000, $0x38;
	[tilespmem:$0x1C200] =	vst v63  }
0x2d: {  	_ =	swait.ge [sflag:s14], $0x4000  }
0x2e: {  	[sflag:s14] =	ssyncset.done $0x0  }
0x2f: {  	[sflag:s14] =	ssyncadd.s32 $0xFFFFC000  }
0x30: {  	s30 =	sadd.s32 $0x0, s12;
	[bflag:$0x0] =	sbarrier.arrive $0xFFFF  }
0x31: {  	[tilespmem:s3], [sflag:$0x1] =	stream.linear.gather [hbm4b:s30+s3], $0x100, $0x38;
	[tilespmem:$0x1C200] =	vst v63  }
0x32: {  	_ =	swait.ge [sflag:s14], $0x100  }
0x33: {  	[sflag:s14] =	ssyncset.done $0x0  }
0x34: {  	s31 =	sadd.s32 $0x0, s11;
	[sflag:s14] =	ssyncadd.s32 $0xFFFFFF00  }
0x35: {  	[tilespmem:s16], [sflag:$0x1] =	stream.linear.gather [hbm4b:s31+s3], $0x100, $0x38;
	[tilespmem:$0x1C200] =	vst v63  }
0x36: {  	_ =	swait.ge [sflag:s14], $0x100  }
0x37: {  	[sflag:s14] =	ssyncset.done $0x0  }
0x38: {  	[sflag:s14] =	ssyncadd.s32 $0xFFFFFF00  }
0x39: {  	[tilespmem:s13], [sflag:$0x1] =	stream.indirect.gather [hbm4b:s4+s16], $0x80, s3, s16, $0xb8;
	[tilespmem:$0x1C200] =	vst v63  }
0x3a: {  	_ =	swait.ge [sflag:s14], $0x8000  }
0x3b: {  	[sflag:s14] =	ssyncset.done $0x0  }
0x3c: {  	[sflag:s14] =	ssyncadd.s32 $0xFFFF8000  }
0x3d: {  	[spmem:s2] =	stream.indirect.scatter.add.f32 [tilespmem:s13], [sflag:$0x1], $0x80, s16, s16, $0xb8;
	[tilespmem:$0x1C200] =	vst v63  }
0x3e: {  	_ =	swait.ge [sflag:s14], $0x8000  }
0x3f: {  	s20 =	simm.s32 $0x20;
	s21 =	simm.s32 $0x40;
	[sflag:s14] =	ssyncset.done $0x0  }
.LBB2_4:
0x40: {  	s22 =	sadd.s32 s20, s12  }
0x41: {  	[sflag:s14] =	ssyncadd.s32 $0xFFFF8000;
	s23 =	smov.u32 s21;
	s24 =	sadd.s32 $0x20, s21  }
0x42: {  	[tilespmem:s3], [sflag:$0x1] =	stream.linear.gather [hbm4b:s22+s3], $0x100, $0x38;
	[tilespmem:$0x1C200] =	vst v63  }
0x43: {  	p0 =	sne.s32 s21, $0x4E0;
	_ =	swait.ge [sflag:s14], $0x100  }
0x44: {  	[sflag:s14] =	ssyncset.done $0x0  }
0x45: {  	s21 =	sadd.s32 s20, s11;
	s20 =	smov.u32 s23;
	[sflag:s14] =	ssyncadd.s32 $0xFFFFFF00  }
0x46: {  	[tilespmem:s16], [sflag:$0x1] =	stream.linear.gather [hbm4b:s21+s3], $0x100, $0x38;
	[tilespmem:$0x1C200] =	vst v63  }
0x47: {  	_ =	swait.ge [sflag:s14], $0x100  }
0x48: {  	[sflag:s14] =	ssyncset.done $0x0  }
0x49: {  	[sflag:s14] =	ssyncadd.s32 $0xFFFFFF00  }
0x4a: {  	[tilespmem:s13], [sflag:$0x1] =	stream.indirect.gather [hbm4b:s4+s16], $0x80, s3, s16, $0xb8;
	[tilespmem:$0x1C200] =	vst v63  }
0x4b: {  	_ =	swait.ge [sflag:s14], $0x8000  }
.Ltmp1:
0x4c: {  	[sflag:s14] =	ssyncset.done $0x0;
	(pc) =	sbr.rel @p0 .LBB2_4-.Ltmp1, $4  }
0x4d: {  	[sflag:s14] =	ssyncadd.s32 $0xFFFF8000  }
0x4e: {  	[spmem:s2] =	stream.indirect.scatter.add.f32 [tilespmem:s13], [sflag:$0x1], $0x80, s16, s16, $0xb8;
	[tilespmem:$0x1C200] =	vst v63  }
0x4f: {  	_ =	swait.ge [sflag:s14], $0x8000  }
0x50: {  	s21 =	smov.u32 s24;
	[sflag:s14] =	ssyncset.done $0x0  }
0x51: {  	s21 =	sadd.s32 s20, s12;
	[sflag:s14] =	ssyncadd.s32 $0xFFFF8000  }
0x52: {  	[tilespmem:s3], [sflag:$0x1] =	stream.linear.gather [hbm4b:s21+s3], $0x100, $0x38;
	[tilespmem:$0x1C200] =	vst v63  }
0x53: {  	_ =	swait.ge [sflag:s14], $0x100  }
0x54: {  	[sflag:s14] =	ssyncset.done $0x0  }
0x55: {  	s31 =	sadd.s32 s20, s11;
	[sflag:s14] =	ssyncadd.s32 $0xFFFFFF00  }
0x56: {  	[tilespmem:s16], [sflag:$0x1] =	stream.linear.gather [hbm4b:s31+s3], $0x100, $0x38;
	[tilespmem:$0x1C200] =	vst v63  }
0x57: {  	_ =	swait.ge [sflag:s14], $0x100  }
0x58: {  	[sflag:s14] =	ssyncset.done $0x0  }
0x59: {  	[sflag:s14] =	ssyncadd.s32 $0xFFFFFF00  }
0x5a: {  	[tilespmem:s13], [sflag:$0x1] =	stream.indirect.gather [hbm4b:s4+s16], $0x80, s3, s16, $0xb8;
	[tilespmem:$0x1C200] =	vst v63  }
0x5b: {  	_ =	swait.ge [sflag:s14], $0x8000  }
0x5c: {  	[sflag:s14] =	ssyncset.done $0x0  }
0x5d: {  	[sflag:s14] =	ssyncadd.s32 $0xFFFF8000  }
0x5e: {  	[spmem:s2] =	stream.indirect.scatter.add.f32 [tilespmem:s13], [sflag:$0x1], $0x80, s16, s16, $0xb8;
	[tilespmem:$0x1C200] =	vst v63  }
0x5f: {  	_ =	swait.ge [sflag:s14], $0x8000  }
0x60: {  	s19 =	sadd.s32 $0x1, s19;
	[sflag:s14] =	ssyncset.done $0x0  }
0x61: {  	p0 =	sne.s32 s19, s7;
	[sflag:s14] =	ssyncadd.s32 $0xFFFF8000  }
.Ltmp2:
0x62: {  	[bflag:$0x0] =	sbarrier.arrive $0xFFFF;
	(pc) =	sbr.rel @p0 .LBB2_1-.Ltmp2, $4  }
0x63: {  	[hbm:s6], [sflag:s17] =	dma.local [spmem:s18], $0x2800  }
0x64: {  	_ =	swait.ge [sflag:s14], $0x2800  }
0x65: {  	[sflag:s14] =	ssyncset.done $0x0  }
0x66: {  	[sflag:s14] =	ssyncadd.s32 $0xFFFFD800  }
0x67: {  	_ =	sfence.sel $0x180000  }
0x68: {  	[bflag:$0x0] =	sbarrier.arrive $0xFFFF  }
0x69: {  	p0 =	sne.s32 s0, $0x0;
	_ =	strace $0x9000004D  }
0x6a: {  	s0 =	sadd.s32 @!p0 $0x100000, s1;
	[bflag:$0x2] =	sbarrier.arrive $0xFFFF  }
0x6b: {  	[sflag:s0] =	ssyncadd.tile.s32 @!p0 $0x1;
	_ =	shalt  }
.Lfunc_end2:
_tile_overlayer_lowered:
.L_overlay_start_2:
0x6c: {  	(tag) =	ssettag $0x2  }
0x6d: {  	s0 =	rddreg [dreg:$0x0];
	s2 =	stileid.u32  }
0x6e: {  	s1 =	rddreg [dreg:$0x1];
	p0 =	sne.s32 s2, $0x0  }
0x6f: {  	s3 =	rddreg [dreg:$0x2];
	[bflag:$0x3] =	sbarrier.arrive $0xFFFF;
	s2 =	simm.s32 @!p0 $0x1C01  }
0x70: {  	[timem:s3], [sflag:s2] =	dma.local @!p0 [hbm:s0], s1  }
0x71: {  	s0 =	simm.s32 @!p0 $0x1  }
0x72: {  	_ =	swait.ge @!p0 [sflag:s0], s1  }
0x73: {  	s1 =	ssub.s32 @!p0 $0x0, s1;
	[sflag:s0] =	ssyncset.done @!p0 $0x0  }
0x74: {  	[sflag:s0] =	ssyncadd.s32 @!p0 s1  }
0x75: {  	[bflag:$0x3] =	sbarrier.arrive $0xFFFF  }
0x76: {  	_ =	shalt  }

// kernel: kernel.19.cloned.1.call-start
scs
__scs_entry_jumppad:
0x0: {  	(pc) =	sbr.rel $0x88, $3  }
0x1: {  	(tag) =	ssettag $0x0;
	lr =	simm.s32 $0x1  }
0x2: {  	[smem:$0x3F9A] =	sst lr;
	_ =	strace $0xD0000000  }
0x3: {  	_ = 	snop  }
0x4: {  	_ = 	snop  }
0x5: {  	_ = 	snop  }
0x6: {  	_ = 	snop  }
0x7: {  	_ = 	snop  }
__scs_overlays_trampoline_lowered:
0x8: {  	[smem:$0x3FA9] =	sst s0  }
0x9: {  	[smem:$0x3FAA] =	sst s1  }
0xa: {  	[smem:$0x3FAB] =	sst s2  }
0xb: {  	[smem:$0x3FAC] =	sst s3  }
0xc: {  	[smem:$0x3FAD] =	sst s4  }
0xd: {  	[smem:$0x3FAE] =	sst s5  }
0xe: {  	[smem:$0x3FAF] =	sst s6  }
0xf: {  	[smem:$0x3FB0] =	sst s7  }
0x10: {  	[smem:$0x3FB1] =	sst s8  }
0x11: {  	[smem:$0x3FB2] =	sst s9;
	s0 =	simm.s32 @!p0 $0x0  }
0x12: {  	s1 =	sld [smem:$0x3F98];
	s0 =	simm.s32 @p0 $0x1  }
0x13: {  	[smem:$0x3FB3] =	sst s0;
	s0 =	simm.s32 @!p1 $0x0  }
0x14: {  	s2 =	sld [smem:$0x3F97];
	s0 =	simm.s32 @p1 $0x1  }
0x15: {  	[smem:$0x3FB4] =	sst s0;
	s0 =	simm.s32 @!p2 $0x0  }
0x16: {  	s3 =	sld [smem:$0x3FDB];
	s0 =	simm.s32 @p2 $0x1  }
0x17: {  	s4 =	simm.s32 $0x1BF5;
	[smem:$0x3FB6] =	sst s0  }
0x18: {  	s0 =	sld [smem:$0x3F99];
	_ =	swait.ge [sflag:s4], $0x0  }
0x19: {  	s7 =	sld [smem:$0x3F9A]  }
0x1a: {  	s8 =	sadd.s32 $0xFFFFE003, lr  }
0x1b: {  	s9 =	sadd.s32 $0xFFFFFEF7, lr;
	s5 =	simm.s32 $0xFFFFFFFF;
	p2 =	slt.u32 s8, $0xFFFFF086  }
0x1c: {  	p1 =	slt.u32 s9, $0xF7A;
	s5 =	simm.s32 @!p2 $0x0  }
0x1d: {  	s5 =	simm.s32 @p1 $0x1;
	p0 =	seq.s32 s7, s2  }
0x1e: {  	s7 =	smul.u32 @!p0 $0xF7A, s2;
	p2 =	seq.s32 @!p0 s5, $0x0  }
0x1f: {  	s9 =	smul.u32 $0xF7A, s1;
	s8 =	simm.s32 @!p0 $0x1BF5;
	p2 =	por !p2, p0  }
0x20: {  	[sflag:s8] =	ssyncset.s32 @!p0 $0xFFFFF086;
	s6 =	sadd.s32 @!p0 s3, s7;
	s7 =	simm.s32 @!p0 $0x108  }
0x21: {  	s3 =	sadd.s32 s3, s9;
	s6 =	sadd.s32 @!p0 $0x88, s6;
	s7 =	simm.s32 @p2 $0x1082  }
0x22: {  	[simem:s7], [sflag:s8] =	dma.local @!p0 [hbm:s6], $0xF7A  }
0x23: {  	s9 =	sor.u32 $0xD0000000, s2;
	s6 =	simm.s32 $0x108;
	_ =	swait.ge @!p0 [sflag:s8], $0x0  }
0x24: {  	s3 =	sadd.s32 $0x88, s3;
	s6 =	simm.s32 @!p1 $0x1082;
	[sflag:s4] =	ssyncset.s32 $0xFFFFF086  }
0x25: {  	[simem:s6], [sflag:s4] =	dma.local [hbm:s3], $0xF7A  }
0x26: {  	[smem:$0x3F9A] =	sst s1;
	(tag) =	ssettag s2;
	_ =	strace s9  }
0x27: {  	s1 =	sld [smem:$0x3FAA]  }
0x28: {  	s2 =	sld [smem:$0x3FAB]  }
0x29: {  	s4 =	sld [smem:$0x3FAD]  }
0x2a: {  	p0 =	seq.s32 s5, $0x0;
	s5 =	sld [smem:$0x3FAE]  }
0x2b: {  	s6 =	sld [smem:$0x3FAF]  }
0x2c: {  	s7 =	sld [smem:$0x3FB0]  }
0x2d: {  	s3 =	simm.s32 $0x108;
	s8 =	sld [smem:$0x3FB1]  }
0x2e: {  	s3 =	simm.s32 @!p0 $0x1082;
	s9 =	sld [smem:$0x3FB2]  }
0x2f: {  	lr =	sadd.s32 s0, s3;
	s0 =	sld [smem:$0x3FA9]  }
0x30: {  	s3 =	sld [smem:$0x3FAC]  }
0x31: {  	[smem:$0x3FB5] =	sst s10  }
0x32: {  	s10 =	sld [smem:$0x3FB3];
	_ =	sdelay $0x3  }
0x33: {  	p0 =	seq.s32 s10, $0x1;
	s10 =	sld [smem:$0x3FB5];
	_ =	sdelay $0x3  }
0x34: {  	[smem:$0x3FB5] =	sst s10  }
0x35: {  	s10 =	sld [smem:$0x3FB4];
	_ =	sdelay $0x3  }
0x36: {  	p1 =	seq.s32 s10, $0x1;
	s10 =	sld [smem:$0x3FB5];
	_ =	sdelay $0x3  }
0x37: {  	[smem:$0x3FB5] =	sst s10  }
0x38: {  	s10 =	sld [smem:$0x3FB6]  }
0x39: {  	_ = 	snop;
	(pc) =	sbr.ind lr, $3  }
0x3a: {  	_ = 	snop  }
0x3b: {  	_ = 	snop  }
0x3c: {  	p2 =	seq.s32 s10, $0x1;
	s10 =	sld [smem:$0x3FB5]  }
0x3d: {  	_ =	shalt  }
0x3e: {  	_ =	shalt  }
0x3f: {  	_ =	shalt  }
0x40: {  	_ =	shalt  }
0x41: {  	_ =	shalt  }
0x42: {  	_ =	shalt  }
0x43: {  	_ =	shalt  }
0x44: {  	_ =	shalt  }
0x45: {  	_ =	shalt  }
0x46: {  	_ =	shalt  }
0x47: {  	_ =	shalt  }
0x48: {  	_ =	shalt  }
0x49: {  	_ =	shalt  }
0x4a: {  	_ =	shalt  }
0x4b: {  	_ =	shalt  }
0x4c: {  	_ =	shalt  }
0x4d: {  	_ =	shalt  }
0x4e: {  	_ =	shalt  }
0x4f: {  	_ =	shalt  }
0x50: {  	_ =	shalt  }
0x51: {  	_ =	shalt  }
0x52: {  	_ =	shalt  }
0x53: {  	_ =	shalt  }
0x54: {  	_ =	shalt  }
0x55: {  	_ =	shalt  }
0x56: {  	_ =	shalt  }
0x57: {  	_ =	shalt  }
0x58: {  	_ =	shalt  }
0x59: {  	_ =	shalt  }
0x5a: {  	_ =	shalt  }
0x5b: {  	_ =	shalt  }
0x5c: {  	_ =	shalt  }
0x5d: {  	_ =	shalt  }
0x5e: {  	_ =	shalt  }
0x5f: {  	_ =	shalt  }
0x60: {  	_ =	shalt  }
0x61: {  	_ =	shalt  }
0x62: {  	_ =	shalt  }
0x63: {  	_ =	shalt  }
0x64: {  	_ =	shalt  }
0x65: {  	_ =	shalt  }
0x66: {  	_ =	shalt  }
0x67: {  	_ =	shalt  }
0x68: {  	_ =	shalt  }
0x69: {  	_ =	shalt  }
0x6a: {  	_ =	shalt  }
0x6b: {  	_ =	shalt  }
0x6c: {  	_ =	shalt  }
0x6d: {  	_ =	shalt  }
0x6e: {  	_ =	shalt  }
0x6f: {  	_ =	shalt  }
0x70: {  	_ =	shalt  }
0x71: {  	_ =	shalt  }
0x72: {  	_ =	shalt  }
0x73: {  	_ =	shalt  }
0x74: {  	_ =	shalt  }
0x75: {  	_ =	shalt  }
0x76: {  	_ =	shalt  }
0x77: {  	_ =	shalt  }
0x78: {  	_ =	shalt  }
0x79: {  	_ =	shalt  }
0x7a: {  	_ =	shalt  }
0x7b: {  	_ =	shalt  }
0x7c: {  	_ =	shalt  }
0x7d: {  	_ =	shalt  }
0x7e: {  	_ =	shalt  }
0x7f: {  	_ =	shalt  }
0x80: {  	_ =	shalt  }
0x81: {  	_ =	shalt  }
0x82: {  	_ =	shalt  }
0x83: {  	_ =	shalt  }
0x84: {  	_ =	shalt  }
0x85: {  	_ =	shalt  }
0x86: {  	_ =	shalt  }
0x87: {  	_ =	shalt  }
.Lfunc_end0:
.L_simem_size_0:
called_computation.3_lowered:
.L_overlay_start_0:
0x88: {  	s2 =	sld [smem:$0x3FD9]  }
0x89: {  	s3 =	sld [smem:$0x3FFE];
	_ =	sdelay $0x1  }
0x8a: {  	s1 =	srdreg.scid  }
0x8b: {  	s0 =	sand.u32 $0x1, s1  }
0x8c: {  	s16 =	sshll.u32 s0, $0xA;
	s2 =	sadd.s32 s3, s2  }
0x8d: {  	s2 =	sadd.s32 s2, s16  }
0x8e: {  	[smem:$0x3FC1] =	sst s2  }
0x8f: {  	_ = 	snop  }
0x90: {  	(tm) =	ssettm $0x1  }
0x91: {  	s17 =	sld [smem:$0x3FFB];
	_ =	sdelay $0x3  }
0x92: {  	_ =	strace s17  }
0x93: {  	s2 =	sld [smem:$0x3FFC];
	_ =	sdelay $0x3  }
0x94: {  	_ =	strace s2  }
0x95: {  	s2 =	sld [smem:$0x3FFD];
	_ =	sdelay $0x3  }
0x96: {  	_ =	strace s2  }
0x97: {  	_ =	strace $0x8FFFFFFF  }
0x98: {  	s18 =	sld [smem:$0x3FDB];
	_ =	sdelay $0x1  }
0x99: {  	s19 =	simm.s32 $_scs_section_size  }
0x9a: {  	s4 =	simm.s32 $_size__tile_overlayer_lowered;
	s5 =	simm.s32 $_tile_overlayer_lowered  }
0x9b: {  	s22 =	simm.s32 $0x1BFF;
	s21 =	sshll.u32 s5, $0x1;
	s2 =	sadd.s32 s19, s18  }
0x9c: {  	s6 =	simm.s32 $0x0;
	s20 =	sshll.u32 s4, $0x1;
	s4 =	sadd.s32 s21, s2  }
0x9d: {  	[timem:s6], [sflag:s22] =	dma.local [hbm:s4], s20  }
0x9e: {  	_ =	swait.ge [sflag:s22], s20  }
0x9f: {  	s3 =	ssub.s32 $0x0, s20;
	[sflag:s22] =	ssyncset.done $0x0  }
0xa0: {  	[sflag:s22] =	ssyncadd.s32 s3;
	_ =	sdelay $0x1  }
0xa1: {  	s23 =	simm.s32 $0x1B8B  }
0xa2: {  	_ =	swait.ge [sflag:s23], $0x1  }
0xa3: {  	[sflag:s23] =	ssyncset.done $0x0  }
0xa4: {  	s25 =	simm.s32 $0x1B8E;
	s24 =	sld [smem:$0x3FFE];
	[sflag:s23] =	ssyncadd.s32 $0xFFFFFFFF  }
0xa5: {  	s26 =	simm.s32 $execute0_lowered;
	[smem:$0x3FD2] =	sst s25  }
0xa6: {  	s4 =	sshll.u32 s26, $0x1;
	_ =	strace $0x8000004F;
	[dreg:$0x1] =	wrdreg $0xFFFFFFFF  }
0xa7: {  	s28 =	simm.s32 $_size_execute0_lowered;
	s2 =	sadd.s32 s2, s4;
	[dreg:$0x0] =	wrdreg $0x0  }
0xa8: {  	s4 =	sshll.u32 s28, $0x1;
	[dreg:$0x2] =	wrdreg s2  }
0xa9: {  	[dreg:$0x3] =	wrdreg s4  }
0xaa: {  	[dreg:$0x4] =	wrdreg $0xC0  }
0xab: {  	_ =	task [dreg:s6], $0x5FFFF  }
0xac: {  	[dreg:$0x1] =	wrdreg $0xFFFFFFFF  }
0xad: {  	[dreg:$0x0] =	wrdreg $0x60  }
0xae: {  	[dreg:$0x2] =	wrdreg s24  }
0xaf: {  	[dreg:$0x3] =	wrdreg $0x9  }
0xb0: {  	_ =	task.clear_ibuf [dreg:s6], $0x4FFFF;
	_ =	strace $0x9000004F  }
0xb1: {  	s29 =	simm.s32 $0x9;
	_ =	strace $0x80000051  }
0xb2: {  	_ =	swait.ge [sflag:s29], $0x1  }
0xb3: {  	[sflag:s29] =	ssyncadd.s32 $0xFFFFFFFF  }
0xb4: {  	_ =	strace $0x90000051  }
0xb5: {  	_ =	sfence  }
0xb6: {  	s30 =	sld [smem:$0x0];
	_ =	sdelay $0x2  }
0xb7: {  	s31 =	sshll.u32 s1, $0xD;
	s1 =	sshrl.u32 s1, $0x2  }
0xb8: {  	s3 =	sand.u32 $0x4000, s31;
	s1 =	sadd.s32 s1, s30  }
0xb9: {  	s0 =	sor.u32 s3, s0;
	s1 =	sshll.u32 s1, $0x11  }
0xba: {  	s0 =	sor.u32 s1, s0  }
0xbb: {  	s0 =	sadd.s32 $0x8F2B, s0  }
0xbc: {  	[sflag:s0] =	ssyncadd.remote.s32 $0x1  }
0xbd: {  	_ =	sfence.sel $0xFFFF  }
0xbe: {  	[dreg:$0x0] =	wrdreg $0xFFFFFFFF;
	(pc) =	sbr.abs _section_cstart, $3  }
0xbf: {  	[dreg:$0x1] =	wrdreg $0xFFFFFFFF  }
0xc0: {  	_ =	task.clear_ibuf [dreg:s6], $0x2FFFF;
	_ =	strace $0x9FFFFFFF  }
0xc1: {  	(tm) =	ssettm $0x7FFFFFFF  }
tec
execute0_lowered:
.L_overlay_start_1:
0x0: {  	(tag) =	ssettag $0x1  }
0x1: {  	s4 =	rddreg [dreg:$0x0]  }
0x2: {  	s0 =	rddreg [dreg:$0x1];
	s3 =	srdreg.scid  }
0x3: {  	s1 =	stileid.u32;
	s2 =	simm.s32 $0x0;
	s10 =	simm.s32 $0x1C00  }
0x4: {  	s11 =	simm.s32 $0x80;
	s12 =	simm.s32 $0x3800;
	s13 =	simm.s32 $0x7800  }
0x5: {  	s14 =	simm.s32 $0x1;
	s3 =	sand.u32 $0x1, s3;
	s5 =	smul.u32 $0x1C0000, s1  }
0x6: {  	[smem:$0x7FF] =	sst s2;
	s6 =	sshll.u32 s1, $0x1;
	s7 =	smul.u32 $0xE0000, s3  }
0x7: {  	s15 =	simm.s32 $0x0;
	_ =	strace $0x80000050;
	s6 =	sor.u32 s3, s6  }
0x8: {  	s31 =	ssub.s32 $0x2, s3;
	s6 =	smul.u32 $0x380, s6;
	s5 =	sadd.s32 s7, s5  }
0x9: {  	s3 =	sadd.s32 $0x2600, s4;
	s8 =	sshrl.u32 s31, $0x1;
	s5 =	sshrl.u32 s5, $0x3  }
0xa: {  	s7 =	ssub.s32 s31, s8;
	s6 =	sadd.s32 s6, s4;
	s9 =	sadd.s32 s5, s4  }
0xb: {  	s4 =	sadd.s32 $0x3B600, s6;
	s5 =	sadd.s32 $0x34600, s6;
	s6 =	smax.u32 s7, $0x1  }
0xc: {  	s7 =	sadd.s32 $0x3C2600, s9;
	s8 =	sadd.s32 $0x42600, s9;
	s9 =	simm.s32 $0x2  }
.LBB2_1:
0xd: {  	[tilespmem:s2], [sflag:$0x2] =	stream.linear.gather [hbm4b:s4+s2], $0x1C00, $0x38;
	[tilespmem:$0xB800] =	vst v63  }
0xe: {  	_ =	swait.ge [sflag:s9], $0x1C00  }
0xf: {  	[sflag:s9] =	ssyncset.done $0x0  }
0x10: {  	[sflag:s9] =	ssyncadd.s32 $0xFFFFE400  }
0x11: {  	[tilespmem:s10], [sflag:$0x2] =	stream.linear.gather [hbm4b:s5+s2], $0x1C00, $0x38;
	[tilespmem:$0xB800] =	vst v63  }
0x12: {  	_ =	swait.ge [sflag:s9], $0x1C00  }
0x13: {  	[sflag:s9] =	ssyncset.done $0x0  }
0x14: {  	s16 =	simm.s32 $0x0;
	[sflag:s9] =	ssyncadd.s32 $0xFFFFE400  }
0x15: {  	[tilespmem:s12], [sflag:$0x1] =	stream.indirect.gather [hbm4b:s3+s11], $0x80, s16, s11, $0xb8;
	[tilespmem:$0xB800] =	vst v63  }
0x16: {  	s31 =	simm.s32 $0x1C00  }
0x17: {  	[tilespmem:s13], [sflag:$0x1] =	stream.indirect.gather [hbm4b:s3+s11], $0x80, s31, s11, $0xb8;
	[tilespmem:$0xB800] =	vst v63  }
0x18: {  	_ =	swait.ge [sflag:s14], $0x4000  }
0x19: {  	[sflag:s14] =	ssyncset.done $0x0  }
0x1a: {  	[sflag:s14] =	ssyncadd.s32 $0xFFFFC000  }
0x1b: {  	_ =	swait.ge [sflag:s14], $0x4000  }
0x1c: {  	[sflag:s14] =	ssyncset.done $0x0  }
0x1d: {  	[sflag:s14] =	ssyncadd.s32 $0xFFFFC000  }
0x1e: {  	[hbm4b:s8+s2] =	stream.linear.scatter [tilespmem:s12], [sflag:$0x2], $0x4000, $0x38;
	[tilespmem:$0xB800] =	vst v63  }
0x1f: {  	_ =	swait.ge [sflag:s9], $0x4000  }
0x20: {  	[sflag:s9] =	ssyncset.done $0x0  }
0x21: {  	[sflag:s9] =	ssyncadd.s32 $0xFFFFC000  }
0x22: {  	[hbm4b:s7+s2] =	stream.linear.scatter [tilespmem:s13], [sflag:$0x2], $0x4000, $0x38;
	[tilespmem:$0xB800] =	vst v63  }
0x23: {  	s18 =	simm.s32 $0x200;
	s19 =	simm.s32 $0x400;
	_ =	swait.ge [sflag:s9], $0x4000  }
0x24: {  	s17 =	sadd.s32 $0x800, s8;
	s16 =	sadd.s32 $0x800, s7;
	[sflag:s9] =	ssyncset.done $0x0  }
.LBB2_2:
0x25: {  	s20 =	sshra.s32 s18, $0x2  }
0x26: {  	[sflag:s9] =	ssyncadd.s32 $0xFFFFC000;
	s18 =	smov.u32 s19;
	s21 =	sadd.s32 $0x200, s19  }
0x27: {  	[tilespmem:s12], [sflag:$0x1] =	stream.indirect.gather [hbm4b:s3+s11], $0x80, s20, s11, $0xb8;
	[tilespmem:$0xB800] =	vst v63  }
0x28: {  	p0 =	sne.s32 s19, $0x6E00;
	s19 =	sadd.s32 $0x1C00, s20  }
0x29: {  	[tilespmem:s13], [sflag:$0x1] =	stream.indirect.gather [hbm4b:s3+s11], $0x80, s19, s11, $0xb8;
	[tilespmem:$0xB800] =	vst v63  }
0x2a: {  	_ =	swait.ge [sflag:s14], $0x4000  }
0x2b: {  	[sflag:s14] =	ssyncset.done $0x0  }
0x2c: {  	[sflag:s14] =	ssyncadd.s32 $0xFFFFC000  }
0x2d: {  	_ =	swait.ge [sflag:s14], $0x4000  }
0x2e: {  	[sflag:s14] =	ssyncset.done $0x0  }
0x2f: {  	[sflag:s14] =	ssyncadd.s32 $0xFFFFC000  }
0x30: {  	[hbm4b:s17+s2] =	stream.linear.scatter [tilespmem:s12], [sflag:$0x2], $0x4000, $0x38;
	[tilespmem:$0xB800] =	vst v63  }
0x31: {  	_ =	swait.ge [sflag:s9], $0x4000  }
.Ltmp0:
0x32: {  	[sflag:s9] =	ssyncset.done $0x0;
	(pc) =	sbr.rel @p0 .LBB2_2-.Ltmp0, $4  }
0x33: {  	[sflag:s9] =	ssyncadd.s32 $0xFFFFC000  }
0x34: {  	[hbm4b:s16+s2] =	stream.linear.scatter [tilespmem:s13], [sflag:$0x2], $0x4000, $0x38;
	[tilespmem:$0xB800] =	vst v63  }
0x35: {  	s19 =	smov.u32 s21;
	_ =	swait.ge [sflag:s9], $0x4000  }
0x36: {  	s17 =	sadd.s32 $0x800, s17;
	s16 =	sadd.s32 $0x800, s16;
	[sflag:s9] =	ssyncset.done $0x0  }
0x37: {  	s18 =	sshra.s32 s18, $0x2;
	[sflag:s9] =	ssyncadd.s32 $0xFFFFC000  }
0x38: {  	[tilespmem:s12], [sflag:$0x1] =	stream.indirect.gather [hbm4b:s3+s11], $0x80, s18, s11, $0xb8;
	[tilespmem:$0xB800] =	vst v63  }
0x39: {  	s18 =	sadd.s32 $0x1C00, s18  }
0x3a: {  	[tilespmem:s13], [sflag:$0x1] =	stream.indirect.gather [hbm4b:s3+s11], $0x80, s18, s11, $0xb8;
	[tilespmem:$0xB800] =	vst v63  }
0x3b: {  	_ =	swait.ge [sflag:s14], $0x4000  }
0x3c: {  	[sflag:s14] =	ssyncset.done $0x0  }
0x3d: {  	[sflag:s14] =	ssyncadd.s32 $0xFFFFC000  }
0x3e: {  	_ =	swait.ge [sflag:s14], $0x4000  }
0x3f: {  	[sflag:s14] =	ssyncset.done $0x0  }
0x40: {  	[sflag:s14] =	ssyncadd.s32 $0xFFFFC000  }
0x41: {  	[hbm4b:s17+s2] =	stream.linear.scatter [tilespmem:s12], [sflag:$0x2], $0x4000, $0x38;
	[tilespmem:$0xB800] =	vst v63  }
0x42: {  	s15 =	sadd.s32 $0x1, s15;
	_ =	swait.ge [sflag:s9], $0x4000  }
0x43: {  	p0 =	sne.s32 s15, s6;
	[sflag:s9] =	ssyncset.done $0x0  }
.Ltmp1:
0x44: {  	[sflag:s9] =	ssyncadd.s32 $0xFFFFC000;
	(pc) =	sbr.rel @p0 .LBB2_1-.Ltmp1, $4  }
0x45: {  	[hbm4b:s16+s2] =	stream.linear.scatter [tilespmem:s13], [sflag:$0x2], $0x4000, $0x38;
	[tilespmem:$0xB800] =	vst v63  }
0x46: {  	_ =	swait.ge [sflag:s9], $0x4000  }
0x47: {  	[sflag:s9] =	ssyncset.done $0x0  }
0x48: {  	[sflag:s9] =	ssyncadd.s32 $0xFFFFC000  }
0x49: {  	_ =	sfence.sel $0x180000  }
0x4a: {  	[bflag:$0x0] =	sbarrier.arrive $0xFFFF  }
0x4b: {  	p0 =	sne.s32 s1, $0x0;
	_ =	strace $0x90000050  }
0x4c: {  	s0 =	sadd.s32 @!p0 $0x100000, s0;
	[bflag:$0x2] =	sbarrier.arrive $0xFFFF  }
0x4d: {  	[sflag:s0] =	ssyncadd.tile.s32 @!p0 $0x1;
	_ =	shalt  }
.Lfunc_end2:
_tile_overlayer_lowered:
.L_overlay_start_2:
0x4e: {  	(tag) =	ssettag $0x2  }
0x4f: {  	s0 =	rddreg [dreg:$0x0];
	s2 =	stileid.u32  }
0x50: {  	s1 =	rddreg [dreg:$0x1];
	p0 =	sne.s32 s2, $0x0  }
0x51: {  	s3 =	rddreg [dreg:$0x2];
	[bflag:$0x3] =	sbarrier.arrive $0xFFFF;
	s2 =	simm.s32 @!p0 $0x1C02  }
0x52: {  	[timem:s3], [sflag:s2] =	dma.local @!p0 [hbm:s0], s1  }
0x53: {  	s0 =	simm.s32 @!p0 $0x2  }
0x54: {  	_ =	swait.ge @!p0 [sflag:s0], s1  }
0x55: {  	s1 =	ssub.s32 @!p0 $0x0, s1;
	[sflag:s0] =	ssyncset.done @!p0 $0x0  }
0x56: {  	[sflag:s0] =	ssyncadd.s32 @!p0 s1  }
0x57: {  	[bflag:$0x3] =	sbarrier.arrive $0xFFFF  }
0x58: {  	_ =	shalt  }

</sc_bundles>
